<compile_context>
chip_gen: v7x
topology: tpu7x:2x2x1
jax: 0.10.2.dev20260603
libtpu: 0.0.44.dev20260713+nightly
codegen_flags: <defaults>
</compile_context>

<pallas_src>
import functools

import jax
import jax.numpy as jnp
from jax import lax
from jax.experimental import pallas as pl
from jax.experimental.pallas import tpu as pltpu
from jax.experimental.pallas import tpu_sc as plsc

CH = 128
NSUB = 16
NCORE = 2
DLANES = 16


def _sc_mesh():
    return plsc.VectorSubcoreMesh(core_axis_name="c", subcore_axis_name="s")


_SC_PARAMS = pltpu.CompilerParams(use_tc_tiling_on_sc=False)


DEG_GRP = 16
NBUF = 2


def _sc_degree(dst2d, ones_h, zeros_h, np_rows, nchunk):
    rows_per_sub = np_rows // NSUB

    @functools.partial(
        pl.kernel,
        out_type=jax.ShapeDtypeStruct((NCORE, np_rows, DLANES), jnp.float32),
        mesh=_sc_mesh(),
        scratch_types=[
            pltpu.VMEM((nchunk, CH), jnp.int32),
            pltpu.VMEM((CH, DLANES), jnp.float32),
            pltpu.VMEM_SHARED((np_rows, DLANES), jnp.float32),
            pltpu.SemaphoreType.DMA,
        ],
        compiler_params=_SC_PARAMS,
    )
    def k(dst_hbm, ones_hbm, zeros_hbm, out_hbm, dst_v, ones_v, acc, sem):
        cid = lax.axis_index("c")
        sid = lax.axis_index("s")
        row0 = sid * rows_per_sub
        chunk0 = (cid * NSUB + sid) * nchunk
        pltpu.sync_copy(zeros_hbm, acc.at[pl.ds(row0, rows_per_sub)])
        pltpu.sync_copy(ones_hbm, ones_v)
        pltpu.sync_copy(dst_hbm.at[pl.ds(chunk0, nchunk)], dst_v)
        plsc.subcore_barrier()

        @pl.loop(0, nchunk // DEG_GRP)
        def _(g):
            c0 = g * DEG_GRP
            for b in range(DEG_GRP):
                pltpu.async_copy(ones_v, acc.at[dst_v.at[c0 + b]], sem,
                                 add=True)
            for b in range(DEG_GRP):
                pltpu.make_async_copy(ones_v, acc.at[dst_v.at[c0 + b]],
                                      sem).wait()

        plsc.subcore_barrier()
        pltpu.sync_copy(acc.at[pl.ds(row0, rows_per_sub)],
                        out_hbm.at[cid].at[pl.ds(row0, rows_per_sub)])

    return k(dst2d, ones_h, zeros_h)


def _sc_scatter(hs, src2d, dst2d, zeros_h, zeros_idx, np_rows, feat, nchunk):
    rows_per_sub = np_rows // NSUB

    @functools.partial(
        pl.kernel,
        out_type=jax.ShapeDtypeStruct((NCORE, np_rows, feat), jnp.float32),
        mesh=_sc_mesh(),
        scratch_types=[
            pltpu.VMEM((nchunk, CH), jnp.int32),
            pltpu.VMEM((NBUF, CH), jnp.int32),
            [pltpu.VMEM((CH, feat), jnp.float32)] * NBUF,
            pltpu.VMEM_SHARED((np_rows, feat), jnp.float32),
            [pltpu.SemaphoreType.DMA] * NBUF,
        ],
        compiler_params=_SC_PARAMS,
    )
    def k(hs_hbm, src_hbm, dst_hbm, zeros_hbm, zidx_hbm, out_hbm,
          src_v, dstb, rows, acc, gsem):
        cid = lax.axis_index("c")
        sid = lax.axis_index("s")
        row0 = sid * rows_per_sub
        chunk0 = (cid * NSUB + sid) * nchunk
        pltpu.sync_copy(zeros_hbm, acc.at[pl.ds(row0, rows_per_sub)])
        pltpu.sync_copy(src_hbm.at[pl.ds(chunk0, nchunk)], src_v)
        plsc.subcore_barrier()

        @pl.loop(0, nchunk // NBUF)
        def _(g):
            c0 = g * NBUF
            h = [pltpu.async_copy(hs_hbm.at[src_v.at[c0 + b]], rows[b],
                                  gsem[b]) for b in range(NBUF)]
            pltpu.sync_copy(dst_hbm.at[pl.ds(chunk0 + c0, NBUF)], dstb)
            for b in range(NBUF):
                h[b].wait()

        plsc.subcore_barrier()
        pltpu.sync_copy(acc.at[pl.ds(row0, rows_per_sub)],
                        out_hbm.at[cid].at[pl.ds(row0, rows_per_sub)])

    return k(hs, src2d, dst2d, zeros_h, zeros_idx)


def _tc_matmul(xp, w, bm):
    m, kdim = xp.shape
    ndim = w.shape[1]

    def body(x_ref, w_ref, o_ref):
        o_ref[...] = jnp.dot(x_ref[...], w_ref[...],
                             preferred_element_type=jnp.float32)

    return pl.pallas_call(
        body,
        grid=(m // bm,),
        in_specs=[pl.BlockSpec((bm, kdim), lambda i: (i, 0)),
                  pl.BlockSpec((kdim, ndim), lambda i: (0, 0))],
        out_specs=pl.BlockSpec((bm, ndim), lambda i: (i, 0)),
        out_shape=jax.ShapeDtypeStruct((m, ndim), jnp.float32),
    )(xp, w)


def _dinv_block(d_ref):
    deg = d_ref[0, :, 0:1] + d_ref[1, :, 0:1] + 1.0
    return lax.rsqrt(deg)


def _tc_scale(h, degp, bm):
    m, feat = h.shape

    def body(h_ref, d_ref, o_ref):
        o_ref[...] = h_ref[...] * _dinv_block(d_ref)

    return pl.pallas_call(
        body,
        grid=(m // bm,),
        in_specs=[pl.BlockSpec((bm, feat), lambda i: (i, 0)),
                  pl.BlockSpec((NCORE, bm, DLANES), lambda i: (0, i, 0))],
        out_specs=pl.BlockSpec((bm, feat), lambda i: (i, 0)),
        out_shape=jax.ShapeDtypeStruct((m, feat), jnp.float32),
    )(h, degp)


def _tc_mid(aggp, hs0, degp, b0, w1, bm):
    m, feat = hs0.shape
    ndim = w1.shape[1]

    def body(a_ref, h_ref, d_ref, b_ref, w_ref, o_ref):
        dinv = _dinv_block(d_ref)
        t = (a_ref[0] + a_ref[1] + h_ref[...]) * dinv + b_ref[...]
        r = jnp.maximum(t, 0.0)
        o_ref[...] = jnp.dot(r, w_ref[...],
                             preferred_element_type=jnp.float32) * dinv

    return pl.pallas_call(
        body,
        grid=(m // bm,),
        in_specs=[pl.BlockSpec((NCORE, bm, feat), lambda i: (0, i, 0)),
                  pl.BlockSpec((bm, feat), lambda i: (i, 0)),
                  pl.BlockSpec((NCORE, bm, DLANES), lambda i: (0, i, 0)),
                  pl.BlockSpec((1, feat), lambda i: (0, 0)),
                  pl.BlockSpec((feat, ndim), lambda i: (0, 0))],
        out_specs=pl.BlockSpec((bm, ndim), lambda i: (i, 0)),
        out_shape=jax.ShapeDtypeStruct((m, ndim), jnp.float32),
    )(aggp, hs0, degp, b0, w1)


def _tc_final(aggp, hs1, degp, b1, bm):
    m, feat = hs1.shape

    def body(a_ref, h_ref, d_ref, b_ref, o_ref):
        dinv = _dinv_block(d_ref)
        o_ref[...] = (a_ref[0] + a_ref[1] + h_ref[...]) * dinv + b_ref[...]

    return pl.pallas_call(
        body,
        grid=(m // bm,),
        in_specs=[pl.BlockSpec((NCORE, bm, feat), lambda i: (0, i, 0)),
                  pl.BlockSpec((bm, feat), lambda i: (i, 0)),
                  pl.BlockSpec((NCORE, bm, DLANES), lambda i: (0, i, 0)),
                  pl.BlockSpec((1, feat), lambda i: (0, 0))],
        out_specs=pl.BlockSpec((bm, feat), lambda i: (i, 0)),
        out_shape=jax.ShapeDtypeStruct((m, feat), jnp.float32),
    )(aggp, hs1, degp, b1)


def kernel(x, edge_index, W0, b0, W1, b1):
    n, d_in = x.shape
    e = edge_index.shape[1]
    hdim = W0.shape[1]
    cdim = W1.shape[1]

    np_rows = -((n + 1) // -128) * 128
    rows_per_sub = np_rows // NSUB
    grp = max(NBUF, DEG_GRP)
    nchunk = -(-(-(e // -(NCORE * NSUB * CH))) // grp) * grp
    ep = nchunk * NCORE * NSUB * CH

    src = edge_index[0]
    dst = edge_index[1]
    pad_e = ep - e
    src2d = jnp.concatenate([src, jnp.zeros((pad_e,), jnp.int32)]).reshape(-1, CH)
    dst2d = jnp.concatenate(
        [dst, jnp.full((pad_e + NBUF * CH,), n, jnp.int32)]).reshape(-1, CH)
    xp = jnp.pad(x, ((0, np_rows - n), (0, 0)))

    zeros_deg = jnp.zeros((rows_per_sub, DLANES), jnp.float32)
    ones_deg = jnp.ones((CH, DLANES), jnp.float32)
    zeros_h = jnp.zeros((rows_per_sub, hdim), jnp.float32)
    zeros_c = jnp.zeros((rows_per_sub, cdim), jnp.float32)
    zeros_idx = jnp.zeros((NBUF, CH), jnp.int32)

    bm = rows_per_sub

    degp = _sc_degree(dst2d, ones_deg, zeros_deg, np_rows, nchunk)
    h0 = _tc_matmul(xp, W0, bm)
    hs0 = _tc_scale(h0, degp, bm)
    agg0 = _sc_scatter(hs0, src2d, dst2d, zeros_h, zeros_idx,
                       np_rows, hdim, nchunk)
    hs1 = _tc_mid(agg0, hs0, degp, b0.reshape(1, hdim), W1, bm)
    agg1 = _sc_scatter(hs1, src2d, dst2d, zeros_c, zeros_idx,
                       np_rows, cdim, nchunk)
    out = _tc_final(agg1, hs1, degp, b1.reshape(1, cdim), bm)
    return out[:n]

# --- scband reference (transcript-rebuilt; emitter-appended) ---
"""Pipeline reference for scband-net-72481868087913 (READ-ONLY COPY).

The authoritative reference and input builder live on the scoring server;
editing this copy changes nothing except your own understanding.
"""

import jax, jax.numpy as jnp
import numpy as np

N = 10000   # n_nodes
E = 320000  # n_edges
D = 128     # num_features (input dim)
H = 128     # hidden dim
C = 64      # num_classes


def setup_inputs(seed: int = 0) -> dict:
    key = jax.random.key(seed)
    k1, k2, k3, k4 = jax.random.split(key, 4)
    x = jax.random.normal(k1, (N, D), dtype=jnp.float32)
    edge_index = jax.random.randint(k2, (2, E), 0, N, dtype=jnp.int32)
    W0 = jax.random.normal(k3, (D, H), dtype=jnp.float32) * (1.0 / np.sqrt(D))
    b0 = jnp.zeros((H,), dtype=jnp.float32)
    W1 = jax.random.normal(k4, (H, C), dtype=jnp.float32) * (1.0 / np.sqrt(H))
    b1 = jnp.zeros((C,), dtype=jnp.float32)
    return {"x": x, "edge_index": edge_index, "W0": W0, "b0": b0, "W1": W1, "b1": b1}


def _gcn_layer(x, edge_index, W, b):
    # GCNConv: h = D^{-1/2} (A + I) D^{-1/2} (x W) + b
    n = x.shape[0]
    loops = jnp.arange(n, dtype=edge_index.dtype)
    src = jnp.concatenate([edge_index[0], loops])
    dst = jnp.concatenate([edge_index[1], loops])
    deg = jnp.zeros((n,), dtype=x.dtype).at[dst].add(1.0)
    dinv = 1.0 / jnp.sqrt(jnp.maximum(deg, 1.0))
    h = x @ W
    norm = dinv[src] * dinv[dst]
    msg = jnp.take(h, src, axis=0) * norm[:, None]
    out = jnp.zeros_like(h).at[dst].add(msg)
    return out + b


def reference(x, edge_index, W0, b0, W1, b1):
    h = jax.nn.relu(_gcn_layer(x, edge_index, W0, b0))
    out = _gcn_layer(h, edge_index, W1, b1)  # last layer: no relu
    return out

if __name__ == "__main__":
    import jax
    _d = setup_inputs()
    print(jax.jit(kernel)(*tuple(_d.values())))

</pallas_src>

<mosaic_0001>
#map = affine_map<(d0, d1) -> (0, 0)>
#map1 = affine_map<(d0, d1) -> (0, 0, 0)>
module attributes {stable_mosaic.version = 14 : i64} {
  func.func @k(%arg0: i32, %arg1: i32, %arg2: memref<2562x128xi32, #tpu.memory_space<hbm>>, %arg3: memref<128x16xf32, #tpu.memory_space<hbm>>, %arg4: memref<632x16xf32, #tpu.memory_space<hbm>>, %arg5: memref<2x10112x16xf32, #tpu.memory_space<hbm>>, %arg6: memref<80x128xi32, #tpu.memory_space<vmem>>, %arg7: memref<128x16xf32, #tpu.memory_space<vmem>>, %arg8: memref<10112x16xf32, #tpu.memory_space<vmem_shared>>, %arg9: memref<!tpu.dma_semaphore, #tpu.memory_space<semaphore_mem>>) attributes {dimension_semantics = [#tpu.dimension_semantics<core_parallel>, #tpu.dimension_semantics<subcore_parallel>], iteration_bounds = array<i64: 2, 16>, scalar_prefetch = 0 : i64, scratch_operands = 4 : i64, tpu.core_type = #tpu.core_type<sc_vector_subcore>, window_params = [{transform_indices = #map}, {transform_indices = #map}, {transform_indices = #map}, {transform_indices = #map1}]} {
    %mul3A = arith.constant 632 : i32
    %mul3A_0 = arith.muli %arg1, %mul3A : i32
    %mul3A_1 = arith.constant 16 : i32
    %mul3A_2 = arith.muli %arg0, %mul3A_1 : i32
    %add3A = arith.addi %mul3A_2, %arg1 : i32
    %mul3A_3 = arith.constant 80 : i32
    %mul3A_4 = arith.muli %add3A, %mul3A_3 : i32
    "tpu.region"() ({
      %run_scoped3A = tpu.sem_alloc : memref<!tpu.dma_semaphore, #tpu.memory_space<semaphore_mem>>
      %dma_start3A = arith.constant 0 : i32
      %dma_start3A_10 = tpu.memref_slice %arg8[%mul3A_0, %dma_start3A] : memref<10112x16xf32, #tpu.memory_space<vmem_shared>> -> memref<632x16xf32, #tpu.memory_space<vmem_shared>>
      tpu.enqueue_dma source(%arg4 : memref<632x16xf32, #tpu.memory_space<hbm>>) target(%dma_start3A_10 : memref<632x16xf32, #tpu.memory_space<vmem_shared>>) target_semaphore(%run_scoped3A : memref<!tpu.dma_semaphore, #tpu.memory_space<semaphore_mem>>)
      %dma_wait3A = arith.constant 0 : i32
      %dma_wait3A_11 = tpu.memref_slice %arg8[%mul3A_0, %dma_wait3A] : memref<10112x16xf32, #tpu.memory_space<vmem_shared>> -> memref<632x16xf32, #tpu.memory_space<vmem_shared>>
      tpu.wait_dma2 semaphore(%run_scoped3A : memref<!tpu.dma_semaphore, #tpu.memory_space<semaphore_mem>>) src(%arg4 : memref<632x16xf32, #tpu.memory_space<hbm>>) dst(%dma_wait3A_11 : memref<632x16xf32, #tpu.memory_space<vmem_shared>>)
      tpu.yield
    }) : () -> ()
    "tpu.region"() ({
      %run_scoped3A = tpu.sem_alloc : memref<!tpu.dma_semaphore, #tpu.memory_space<semaphore_mem>>
      tpu.enqueue_dma source(%arg3 : memref<128x16xf32, #tpu.memory_space<hbm>>) target(%arg7 : memref<128x16xf32, #tpu.memory_space<vmem>>) target_semaphore(%run_scoped3A : memref<!tpu.dma_semaphore, #tpu.memory_space<semaphore_mem>>)
      tpu.wait_dma2 semaphore(%run_scoped3A : memref<!tpu.dma_semaphore, #tpu.memory_space<semaphore_mem>>) src(%arg3 : memref<128x16xf32, #tpu.memory_space<hbm>>) dst(%arg7 : memref<128x16xf32, #tpu.memory_space<vmem>>)
      tpu.yield
    }) : () -> ()
    "tpu.region"() ({
      %run_scoped3A = tpu.sem_alloc : memref<!tpu.dma_semaphore, #tpu.memory_space<semaphore_mem>>
      %dma_start3A = arith.constant 0 : i32
      %dma_start3A_10 = tpu.memref_slice %arg2[%mul3A_4, %dma_start3A] : memref<2562x128xi32, #tpu.memory_space<hbm>> -> memref<80x128xi32, #tpu.memory_space<hbm>>
      %dma_start3A_11 = arith.constant 0 : i32
      %dma_start3A_12 = tpu.memref_slice %arg2[%mul3A_4, %dma_start3A_11] : memref<2562x128xi32, #tpu.memory_space<hbm>> -> memref<80x128xi32, #tpu.memory_space<hbm>>
      tpu.enqueue_dma source(%dma_start3A_12 : memref<80x128xi32, #tpu.memory_space<hbm>>) target(%arg6 : memref<80x128xi32, #tpu.memory_space<vmem>>) target_semaphore(%run_scoped3A : memref<!tpu.dma_semaphore, #tpu.memory_space<semaphore_mem>>)
      %dma_wait3A = arith.constant 0 : i32
      %dma_wait3A_13 = tpu.memref_slice %arg2[%mul3A_4, %dma_wait3A] : memref<2562x128xi32, #tpu.memory_space<hbm>> -> memref<80x128xi32, #tpu.memory_space<hbm>>
      %dma_wait3A_14 = arith.constant 0 : i32
      %dma_wait3A_15 = tpu.memref_slice %arg2[%mul3A_4, %dma_wait3A_14] : memref<2562x128xi32, #tpu.memory_space<hbm>> -> memref<80x128xi32, #tpu.memory_space<hbm>>
      tpu.wait_dma2 semaphore(%run_scoped3A : memref<!tpu.dma_semaphore, #tpu.memory_space<semaphore_mem>>) src(%dma_wait3A_15 : memref<80x128xi32, #tpu.memory_space<hbm>>) dst(%arg6 : memref<80x128xi32, #tpu.memory_space<vmem>>)
      tpu.yield
    }) : () -> ()
    %barrier3A = arith.constant 0 : index
    tpu.barrier barrier_id(%barrier3A)
    %scan3A = arith.constant 0 : i32
    %scan3A_5 = arith.constant 5 : i32
    %scan3A_6 = arith.addi %scan3A, %scan3A_5 : i32
    %scan3A_7 = arith.constant 1 : i32
    scf.for %scan3A_10 = %scan3A to %scan3A_6 step %scan3A_7  : i32 {
      %mul3A_11 = arith.constant 1 : i32
      %mul3A_12 = arith.muli %scan3A_10, %mul3A_11 : i32
      %add3A_13 = arith.constant 0 : i32
      %add3A_14 = arith.addi %add3A_13, %mul3A_12 : i32
      %mul3A_15 = arith.constant 16 : i32
      %mul3A_16 = arith.muli %add3A_14, %mul3A_15 : i32
      %add3A_17 = arith.constant 0 : i32
      %add3A_18 = arith.addi %mul3A_16, %add3A_17 : i32
      %dma_start3A = arith.constant 0 : i32
      %dma_start3A_19 = tpu.memref_slice %arg6[%add3A_18, %dma_start3A] : memref<80x128xi32, #tpu.memory_space<vmem>> -> memref<1x128xi32, #tpu.memory_space<vmem>>
      %dma_start3A_20 = tpu.memref_squeeze %dma_start3A_19 : memref<1x128xi32, #tpu.memory_space<vmem>> -> memref<128xi32, #tpu.memory_space<vmem>>
      %dma_start3A_21 = arith.constant 0 : i32
      %dma_start3A_22 = arith.constant 0 : i32
      %dma_start3A_23 = tpu.memref_slice %arg8[%dma_start3A_21, %dma_start3A_22] : memref<10112x16xf32, #tpu.memory_space<vmem_shared>> -> memref<10112x16xf32, #tpu.memory_space<vmem_shared>>
      tpu.enqueue_indirect_dma source(%arg7 : memref<128x16xf32, #tpu.memory_space<vmem>>) target(%dma_start3A_23 : memref<10112x16xf32, #tpu.memory_space<vmem_shared>>) offsets(%dma_start3A_20 : memref<128xi32, #tpu.memory_space<vmem>>) semaphore(%arg9 : memref<!tpu.dma_semaphore, #tpu.memory_space<semaphore_mem>>) {add = true}
      %add3A_24 = arith.constant 1 : i32
      %add3A_25 = arith.addi %mul3A_16, %add3A_24 : i32
      %dma_start3A_26 = arith.constant 0 : i32
      %dma_start3A_27 = tpu.memref_slice %arg6[%add3A_25, %dma_start3A_26] : memref<80x128xi32, #tpu.memory_space<vmem>> -> memref<1x128xi32, #tpu.memory_space<vmem>>
      %dma_start3A_28 = tpu.memref_squeeze %dma_start3A_27 : memref<1x128xi32, #tpu.memory_space<vmem>> -> memref<128xi32, #tpu.memory_space<vmem>>
      %dma_start3A_29 = arith.constant 0 : i32
      %dma_start3A_30 = arith.constant 0 : i32
      %dma_start3A_31 = tpu.memref_slice %arg8[%dma_start3A_29, %dma_start3A_30] : memref<10112x16xf32, #tpu.memory_space<vmem_shared>> -> memref<10112x16xf32, #tpu.memory_space<vmem_shared>>
      tpu.enqueue_indirect_dma source(%arg7 : memref<128x16xf32, #tpu.memory_space<vmem>>) target(%dma_start3A_31 : memref<10112x16xf32, #tpu.memory_space<vmem_shared>>) offsets(%dma_start3A_28 : memref<128xi32, #tpu.memory_space<vmem>>) semaphore(%arg9 : memref<!tpu.dma_semaphore, #tpu.memory_space<semaphore_mem>>) {add = true}
      %add3A_32 = arith.constant 2 : i32
      %add3A_33 = arith.addi %mul3A_16, %add3A_32 : i32
      %dma_start3A_34 = arith.constant 0 : i32
      %dma_start3A_35 = tpu.memref_slice %arg6[%add3A_33, %dma_start3A_34] : memref<80x128xi32, #tpu.memory_space<vmem>> -> memref<1x128xi32, #tpu.memory_space<vmem>>
      %dma_start3A_36 = tpu.memref_squeeze %dma_start3A_35 : memref<1x128xi32, #tpu.memory_space<vmem>> -> memref<128xi32, #tpu.memory_space<vmem>>
      %dma_start3A_37 = arith.constant 0 : i32
      %dma_start3A_38 = arith.constant 0 : i32
      %dma_start3A_39 = tpu.memref_slice %arg8[%dma_start3A_37, %dma_start3A_38] : memref<10112x16xf32, #tpu.memory_space<vmem_shared>> -> memref<10112x16xf32, #tpu.memory_space<vmem_shared>>
      tpu.enqueue_indirect_dma source(%arg7 : memref<128x16xf32, #tpu.memory_space<vmem>>) target(%dma_start3A_39 : memref<10112x16xf32, #tpu.memory_space<vmem_shared>>) offsets(%dma_start3A_36 : memref<128xi32, #tpu.memory_space<vmem>>) semaphore(%arg9 : memref<!tpu.dma_semaphore, #tpu.memory_space<semaphore_mem>>) {add = true}
      %add3A_40 = arith.constant 3 : i32
      %add3A_41 = arith.addi %mul3A_16, %add3A_40 : i32
      %dma_start3A_42 = arith.constant 0 : i32
      %dma_start3A_43 = tpu.memref_slice %arg6[%add3A_41, %dma_start3A_42] : memref<80x128xi32, #tpu.memory_space<vmem>> -> memref<1x128xi32, #tpu.memory_space<vmem>>
      %dma_start3A_44 = tpu.memref_squeeze %dma_start3A_43 : memref<1x128xi32, #tpu.memory_space<vmem>> -> memref<128xi32, #tpu.memory_space<vmem>>
      %dma_start3A_45 = arith.constant 0 : i32
      %dma_start3A_46 = arith.constant 0 : i32
      %dma_start3A_47 = tpu.memref_slice %arg8[%dma_start3A_45, %dma_start3A_46] : memref<10112x16xf32, #tpu.memory_space<vmem_shared>> -> memref<10112x16xf32, #tpu.memory_space<vmem_shared>>
      tpu.enqueue_indirect_dma source(%arg7 : memref<128x16xf32, #tpu.memory_space<vmem>>) target(%dma_start3A_47 : memref<10112x16xf32, #tpu.memory_space<vmem_shared>>) offsets(%dma_start3A_44 : memref<128xi32, #tpu.memory_space<vmem>>) semaphore(%arg9 : memref<!tpu.dma_semaphore, #tpu.memory_space<semaphore_mem>>) {add = true}
      %add3A_48 = arith.constant 4 : i32
      %add3A_49 = arith.addi %mul3A_16, %add3A_48 : i32
      %dma_start3A_50 = arith.constant 0 : i32
      %dma_start3A_51 = tpu.memref_slice %arg6[%add3A_49, %dma_start3A_50] : memref<80x128xi32, #tpu.memory_space<vmem>> -> memref<1x128xi32, #tpu.memory_space<vmem>>
      %dma_start3A_52 = tpu.memref_squeeze %dma_start3A_51 : memref<1x128xi32, #tpu.memory_space<vmem>> -> memref<128xi32, #tpu.memory_space<vmem>>
      %dma_start3A_53 = arith.constant 0 : i32
      %dma_start3A_54 = arith.constant 0 : i32
      %dma_start3A_55 = tpu.memref_slice %arg8[%dma_start3A_53, %dma_start3A_54] : memref<10112x16xf32, #tpu.memory_space<vmem_shared>> -> memref<10112x16xf32, #tpu.memory_space<vmem_shared>>
      tpu.enqueue_indirect_dma source(%arg7 : memref<128x16xf32, #tpu.memory_space<vmem>>) target(%dma_start3A_55 : memref<10112x16xf32, #tpu.memory_space<vmem_shared>>) offsets(%dma_start3A_52 : memref<128xi32, #tpu.memory_space<vmem>>) semaphore(%arg9 : memref<!tpu.dma_semaphore, #tpu.memory_space<semaphore_mem>>) {add = true}
      %add3A_56 = arith.constant 5 : i32
      %add3A_57 = arith.addi %mul3A_16, %add3A_56 : i32
      %dma_start3A_58 = arith.constant 0 : i32
      %dma_start3A_59 = tpu.memref_slice %arg6[%add3A_57, %dma_start3A_58] : memref<80x128xi32, #tpu.memory_space<vmem>> -> memref<1x128xi32, #tpu.memory_space<vmem>>
      %dma_start3A_60 = tpu.memref_squeeze %dma_start3A_59 : memref<1x128xi32, #tpu.memory_space<vmem>> -> memref<128xi32, #tpu.memory_space<vmem>>
      %dma_start3A_61 = arith.constant 0 : i32
      %dma_start3A_62 = arith.constant 0 : i32
      %dma_start3A_63 = tpu.memref_slice %arg8[%dma_start3A_61, %dma_start3A_62] : memref<10112x16xf32, #tpu.memory_space<vmem_shared>> -> memref<10112x16xf32, #tpu.memory_space<vmem_shared>>
      tpu.enqueue_indirect_dma source(%arg7 : memref<128x16xf32, #tpu.memory_space<vmem>>) target(%dma_start3A_63 : memref<10112x16xf32, #tpu.memory_space<vmem_shared>>) offsets(%dma_start3A_60 : memref<128xi32, #tpu.memory_space<vmem>>) semaphore(%arg9 : memref<!tpu.dma_semaphore, #tpu.memory_space<semaphore_mem>>) {add = true}
      %add3A_64 = arith.constant 6 : i32
      %add3A_65 = arith.addi %mul3A_16, %add3A_64 : i32
      %dma_start3A_66 = arith.constant 0 : i32
      %dma_start3A_67 = tpu.memref_slice %arg6[%add3A_65, %dma_start3A_66] : memref<80x128xi32, #tpu.memory_space<vmem>> -> memref<1x128xi32, #tpu.memory_space<vmem>>
      %dma_start3A_68 = tpu.memref_squeeze %dma_start3A_67 : memref<1x128xi32, #tpu.memory_space<vmem>> -> memref<128xi32, #tpu.memory_space<vmem>>
      %dma_start3A_69 = arith.constant 0 : i32
      %dma_start3A_70 = arith.constant 0 : i32
      %dma_start3A_71 = tpu.memref_slice %arg8[%dma_start3A_69, %dma_start3A_70] : memref<10112x16xf32, #tpu.memory_space<vmem_shared>> -> memref<10112x16xf32, #tpu.memory_space<vmem_shared>>
      tpu.enqueue_indirect_dma source(%arg7 : memref<128x16xf32, #tpu.memory_space<vmem>>) target(%dma_start3A_71 : memref<10112x16xf32, #tpu.memory_space<vmem_shared>>) offsets(%dma_start3A_68 : memref<128xi32, #tpu.memory_space<vmem>>) semaphore(%arg9 : memref<!tpu.dma_semaphore, #tpu.memory_space<semaphore_mem>>) {add = true}
      %add3A_72 = arith.constant 7 : i32
      %add3A_73 = arith.addi %mul3A_16, %add3A_72 : i32
      %dma_start3A_74 = arith.constant 0 : i32
      %dma_start3A_75 = tpu.memref_slice %arg6[%add3A_73, %dma_start3A_74] : memref<80x128xi32, #tpu.memory_space<vmem>> -> memref<1x128xi32, #tpu.memory_space<vmem>>
      %dma_start3A_76 = tpu.memref_squeeze %dma_start3A_75 : memref<1x128xi32, #tpu.memory_space<vmem>> -> memref<128xi32, #tpu.memory_space<vmem>>
      %dma_start3A_77 = arith.constant 0 : i32
      %dma_start3A_78 = arith.constant 0 : i32
      %dma_start3A_79 = tpu.memref_slice %arg8[%dma_start3A_77, %dma_start3A_78] : memref<10112x16xf32, #tpu.memory_space<vmem_shared>> -> memref<10112x16xf32, #tpu.memory_space<vmem_shared>>
      tpu.enqueue_indirect_dma source(%arg7 : memref<128x16xf32, #tpu.memory_space<vmem>>) target(%dma_start3A_79 : memref<10112x16xf32, #tpu.memory_space<vmem_shared>>) offsets(%dma_start3A_76 : memref<128xi32, #tpu.memory_space<vmem>>) semaphore(%arg9 : memref<!tpu.dma_semaphore, #tpu.memory_space<semaphore_mem>>) {add = true}
      %add3A_80 = arith.constant 8 : i32
      %add3A_81 = arith.addi %mul3A_16, %add3A_80 : i32
      %dma_start3A_82 = arith.constant 0 : i32
      %dma_start3A_83 = tpu.memref_slice %arg6[%add3A_81, %dma_start3A_82] : memref<80x128xi32, #tpu.memory_space<vmem>> -> memref<1x128xi32, #tpu.memory_space<vmem>>
      %dma_start3A_84 = tpu.memref_squeeze %dma_start3A_83 : memref<1x128xi32, #tpu.memory_space<vmem>> -> memref<128xi32, #tpu.memory_space<vmem>>
      %dma_start3A_85 = arith.constant 0 : i32
      %dma_start3A_86 = arith.constant 0 : i32
      %dma_start3A_87 = tpu.memref_slice %arg8[%dma_start3A_85, %dma_start3A_86] : memref<10112x16xf32, #tpu.memory_space<vmem_shared>> -> memref<10112x16xf32, #tpu.memory_space<vmem_shared>>
      tpu.enqueue_indirect_dma source(%arg7 : memref<128x16xf32, #tpu.memory_space<vmem>>) target(%dma_start3A_87 : memref<10112x16xf32, #tpu.memory_space<vmem_shared>>) offsets(%dma_start3A_84 : memref<128xi32, #tpu.memory_space<vmem>>) semaphore(%arg9 : memref<!tpu.dma_semaphore, #tpu.memory_space<semaphore_mem>>) {add = true}
      %add3A_88 = arith.constant 9 : i32
      %add3A_89 = arith.addi %mul3A_16, %add3A_88 : i32
      %dma_start3A_90 = arith.constant 0 : i32
      %dma_start3A_91 = tpu.memref_slice %arg6[%add3A_89, %dma_start3A_90] : memref<80x128xi32, #tpu.memory_space<vmem>> -> memref<1x128xi32, #tpu.memory_space<vmem>>
      %dma_start3A_92 = tpu.memref_squeeze %dma_start3A_91 : memref<1x128xi32, #tpu.memory_space<vmem>> -> memref<128xi32, #tpu.memory_space<vmem>>
      %dma_start3A_93 = arith.constant 0 : i32
      %dma_start3A_94 = arith.constant 0 : i32
      %dma_start3A_95 = tpu.memref_slice %arg8[%dma_start3A_93, %dma_start3A_94] : memref<10112x16xf32, #tpu.memory_space<vmem_shared>> -> memref<10112x16xf32, #tpu.memory_space<vmem_shared>>
      tpu.enqueue_indirect_dma source(%arg7 : memref<128x16xf32, #tpu.memory_space<vmem>>) target(%dma_start3A_95 : memref<10112x16xf32, #tpu.memory_space<vmem_shared>>) offsets(%dma_start3A_92 : memref<128xi32, #tpu.memory_space<vmem>>) semaphore(%arg9 : memref<!tpu.dma_semaphore, #tpu.memory_space<semaphore_mem>>) {add = true}
      %add3A_96 = arith.constant 10 : i32
      %add3A_97 = arith.addi %mul3A_16, %add3A_96 : i32
      %dma_start3A_98 = arith.constant 0 : i32
      %dma_start3A_99 = tpu.memref_slice %arg6[%add3A_97, %dma_start3A_98] : memref<80x128xi32, #tpu.memory_space<vmem>> -> memref<1x128xi32, #tpu.memory_space<vmem>>
      %dma_start3A_100 = tpu.memref_squeeze %dma_start3A_99 : memref<1x128xi32, #tpu.memory_space<vmem>> -> memref<128xi32, #tpu.memory_space<vmem>>
      %dma_start3A_101 = arith.constant 0 : i32
      %dma_start3A_102 = arith.constant 0 : i32
      %dma_start3A_103 = tpu.memref_slice %arg8[%dma_start3A_101, %dma_start3A_102] : memref<10112x16xf32, #tpu.memory_space<vmem_shared>> -> memref<10112x16xf32, #tpu.memory_space<vmem_shared>>
      tpu.enqueue_indirect_dma source(%arg7 : memref<128x16xf32, #tpu.memory_space<vmem>>) target(%dma_start3A_103 : memref<10112x16xf32, #tpu.memory_space<vmem_shared>>) offsets(%dma_start3A_100 : memref<128xi32, #tpu.memory_space<vmem>>) semaphore(%arg9 : memref<!tpu.dma_semaphore, #tpu.memory_space<semaphore_mem>>) {add = true}
      %add3A_104 = arith.constant 11 : i32
      %add3A_105 = arith.addi %mul3A_16, %add3A_104 : i32
      %dma_start3A_106 = arith.constant 0 : i32
      %dma_start3A_107 = tpu.memref_slice %arg6[%add3A_105, %dma_start3A_106] : memref<80x128xi32, #tpu.memory_space<vmem>> -> memref<1x128xi32, #tpu.memory_space<vmem>>
      %dma_start3A_108 = tpu.memref_squeeze %dma_start3A_107 : memref<1x128xi32, #tpu.memory_space<vmem>> -> memref<128xi32, #tpu.memory_space<vmem>>
      %dma_start3A_109 = arith.constant 0 : i32
      %dma_start3A_110 = arith.constant 0 : i32
      %dma_start3A_111 = tpu.memref_slice %arg8[%dma_start3A_109, %dma_start3A_110] : memref<10112x16xf32, #tpu.memory_space<vmem_shared>> -> memref<10112x16xf32, #tpu.memory_space<vmem_shared>>
      tpu.enqueue_indirect_dma source(%arg7 : memref<128x16xf32, #tpu.memory_space<vmem>>) target(%dma_start3A_111 : memref<10112x16xf32, #tpu.memory_space<vmem_shared>>) offsets(%dma_start3A_108 : memref<128xi32, #tpu.memory_space<vmem>>) semaphore(%arg9 : memref<!tpu.dma_semaphore, #tpu.memory_space<semaphore_mem>>) {add = true}
      %add3A_112 = arith.constant 12 : i32
      %add3A_113 = arith.addi %mul3A_16, %add3A_112 : i32
      %dma_start3A_114 = arith.constant 0 : i32
      %dma_start3A_115 = tpu.memref_slice %arg6[%add3A_113, %dma_start3A_114] : memref<80x128xi32, #tpu.memory_space<vmem>> -> memref<1x128xi32, #tpu.memory_space<vmem>>
      %dma_start3A_116 = tpu.memref_squeeze %dma_start3A_115 : memref<1x128xi32, #tpu.memory_space<vmem>> -> memref<128xi32, #tpu.memory_space<vmem>>
      %dma_start3A_117 = arith.constant 0 : i32
      %dma_start3A_118 = arith.constant 0 : i32
      %dma_start3A_119 = tpu.memref_slice %arg8[%dma_start3A_117, %dma_start3A_118] : memref<10112x16xf32, #tpu.memory_space<vmem_shared>> -> memref<10112x16xf32, #tpu.memory_space<vmem_shared>>
      tpu.enqueue_indirect_dma source(%arg7 : memref<128x16xf32, #tpu.memory_space<vmem>>) target(%dma_start3A_119 : memref<10112x16xf32, #tpu.memory_space<vmem_shared>>) offsets(%dma_start3A_116 : memref<128xi32, #tpu.memory_space<vmem>>) semaphore(%arg9 : memref<!tpu.dma_semaphore, #tpu.memory_space<semaphore_mem>>) {add = true}
      %add3A_120 = arith.constant 13 : i32
      %add3A_121 = arith.addi %mul3A_16, %add3A_120 : i32
      %dma_start3A_122 = arith.constant 0 : i32
      %dma_start3A_123 = tpu.memref_slice %arg6[%add3A_121, %dma_start3A_122] : memref<80x128xi32, #tpu.memory_space<vmem>> -> memref<1x128xi32, #tpu.memory_space<vmem>>
      %dma_start3A_124 = tpu.memref_squeeze %dma_start3A_123 : memref<1x128xi32, #tpu.memory_space<vmem>> -> memref<128xi32, #tpu.memory_space<vmem>>
      %dma_start3A_125 = arith.constant 0 : i32
      %dma_start3A_126 = arith.constant 0 : i32
      %dma_start3A_127 = tpu.memref_slice %arg8[%dma_start3A_125, %dma_start3A_126] : memref<10112x16xf32, #tpu.memory_space<vmem_shared>> -> memref<10112x16xf32, #tpu.memory_space<vmem_shared>>
      tpu.enqueue_indirect_dma source(%arg7 : memref<128x16xf32, #tpu.memory_space<vmem>>) target(%dma_start3A_127 : memref<10112x16xf32, #tpu.memory_space<vmem_shared>>) offsets(%dma_start3A_124 : memref<128xi32, #tpu.memory_space<vmem>>) semaphore(%arg9 : memref<!tpu.dma_semaphore, #tpu.memory_space<semaphore_mem>>) {add = true}
      %add3A_128 = arith.constant 14 : i32
      %add3A_129 = arith.addi %mul3A_16, %add3A_128 : i32
      %dma_start3A_130 = arith.constant 0 : i32
      %dma_start3A_131 = tpu.memref_slice %arg6[%add3A_129, %dma_start3A_130] : memref<80x128xi32, #tpu.memory_space<vmem>> -> memref<1x128xi32, #tpu.memory_space<vmem>>
      %dma_start3A_132 = tpu.memref_squeeze %dma_start3A_131 : memref<1x128xi32, #tpu.memory_space<vmem>> -> memref<128xi32, #tpu.memory_space<vmem>>
      %dma_start3A_133 = arith.constant 0 : i32
      %dma_start3A_134 = arith.constant 0 : i32
      %dma_start3A_135 = tpu.memref_slice %arg8[%dma_start3A_133, %dma_start3A_134] : memref<10112x16xf32, #tpu.memory_space<vmem_shared>> -> memref<10112x16xf32, #tpu.memory_space<vmem_shared>>
      tpu.enqueue_indirect_dma source(%arg7 : memref<128x16xf32, #tpu.memory_space<vmem>>) target(%dma_start3A_135 : memref<10112x16xf32, #tpu.memory_space<vmem_shared>>) offsets(%dma_start3A_132 : memref<128xi32, #tpu.memory_space<vmem>>) semaphore(%arg9 : memref<!tpu.dma_semaphore, #tpu.memory_space<semaphore_mem>>) {add = true}
      %add3A_136 = arith.constant 15 : i32
      %add3A_137 = arith.addi %mul3A_16, %add3A_136 : i32
      %dma_start3A_138 = arith.constant 0 : i32
      %dma_start3A_139 = tpu.memref_slice %arg6[%add3A_137, %dma_start3A_138] : memref<80x128xi32, #tpu.memory_space<vmem>> -> memref<1x128xi32, #tpu.memory_space<vmem>>
      %dma_start3A_140 = tpu.memref_squeeze %dma_start3A_139 : memref<1x128xi32, #tpu.memory_space<vmem>> -> memref<128xi32, #tpu.memory_space<vmem>>
      %dma_start3A_141 = arith.constant 0 : i32
      %dma_start3A_142 = arith.constant 0 : i32
      %dma_start3A_143 = tpu.memref_slice %arg8[%dma_start3A_141, %dma_start3A_142] : memref<10112x16xf32, #tpu.memory_space<vmem_shared>> -> memref<10112x16xf32, #tpu.memory_space<vmem_shared>>
      tpu.enqueue_indirect_dma source(%arg7 : memref<128x16xf32, #tpu.memory_space<vmem>>) target(%dma_start3A_143 : memref<10112x16xf32, #tpu.memory_space<vmem_shared>>) offsets(%dma_start3A_140 : memref<128xi32, #tpu.memory_space<vmem>>) semaphore(%arg9 : memref<!tpu.dma_semaphore, #tpu.memory_space<semaphore_mem>>) {add = true}
      %add3A_144 = arith.constant 0 : i32
      %add3A_145 = arith.addi %mul3A_16, %add3A_144 : i32
      %dma_wait3A = arith.constant 0 : i32
      %dma_wait3A_146 = tpu.memref_slice %arg6[%add3A_145, %dma_wait3A] : memref<80x128xi32, #tpu.memory_space<vmem>> -> memref<1x128xi32, #tpu.memory_space<vmem>>
      %dma_wait3A_147 = tpu.memref_squeeze %dma_wait3A_146 : memref<1x128xi32, #tpu.memory_space<vmem>> -> memref<128xi32, #tpu.memory_space<vmem>>
      %dma_wait3A_148 = arith.constant 0 : i32
      %dma_wait3A_149 = arith.constant 0 : i32
      %dma_wait3A_150 = tpu.memref_slice %arg8[%dma_wait3A_148, %dma_wait3A_149] : memref<10112x16xf32, #tpu.memory_space<vmem_shared>> -> memref<10112x16xf32, #tpu.memory_space<vmem_shared>>
      tpu.wait_indirect_dma semaphore(%arg9 : memref<!tpu.dma_semaphore, #tpu.memory_space<semaphore_mem>>) src(%arg7 : memref<128x16xf32, #tpu.memory_space<vmem>>) dst(%dma_wait3A_150 : memref<10112x16xf32, #tpu.memory_space<vmem_shared>>)
      %add3A_151 = arith.constant 1 : i32
      %add3A_152 = arith.addi %mul3A_16, %add3A_151 : i32
      %dma_wait3A_153 = arith.constant 0 : i32
      %dma_wait3A_154 = tpu.memref_slice %arg6[%add3A_152, %dma_wait3A_153] : memref<80x128xi32, #tpu.memory_space<vmem>> -> memref<1x128xi32, #tpu.memory_space<vmem>>
      %dma_wait3A_155 = tpu.memref_squeeze %dma_wait3A_154 : memref<1x128xi32, #tpu.memory_space<vmem>> -> memref<128xi32, #tpu.memory_space<vmem>>
      %dma_wait3A_156 = arith.constant 0 : i32
      %dma_wait3A_157 = arith.constant 0 : i32
      %dma_wait3A_158 = tpu.memref_slice %arg8[%dma_wait3A_156, %dma_wait3A_157] : memref<10112x16xf32, #tpu.memory_space<vmem_shared>> -> memref<10112x16xf32, #tpu.memory_space<vmem_shared>>
      tpu.wait_indirect_dma semaphore(%arg9 : memref<!tpu.dma_semaphore, #tpu.memory_space<semaphore_mem>>) src(%arg7 : memref<128x16xf32, #tpu.memory_space<vmem>>) dst(%dma_wait3A_158 : memref<10112x16xf32, #tpu.memory_space<vmem_shared>>)
      %add3A_159 = arith.constant 2 : i32
      %add3A_160 = arith.addi %mul3A_16, %add3A_159 : i32
      %dma_wait3A_161 = arith.constant 0 : i32
      %dma_wait3A_162 = tpu.memref_slice %arg6[%add3A_160, %dma_wait3A_161] : memref<80x128xi32, #tpu.memory_space<vmem>> -> memref<1x128xi32, #tpu.memory_space<vmem>>
      %dma_wait3A_163 = tpu.memref_squeeze %dma_wait3A_162 : memref<1x128xi32, #tpu.memory_space<vmem>> -> memref<128xi32, #tpu.memory_space<vmem>>
      %dma_wait3A_164 = arith.constant 0 : i32
      %dma_wait3A_165 = arith.constant 0 : i32
      %dma_wait3A_166 = tpu.memref_slice %arg8[%dma_wait3A_164, %dma_wait3A_165] : memref<10112x16xf32, #tpu.memory_space<vmem_shared>> -> memref<10112x16xf32, #tpu.memory_space<vmem_shared>>
      tpu.wait_indirect_dma semaphore(%arg9 : memref<!tpu.dma_semaphore, #tpu.memory_space<semaphore_mem>>) src(%arg7 : memref<128x16xf32, #tpu.memory_space<vmem>>) dst(%dma_wait3A_166 : memref<10112x16xf32, #tpu.memory_space<vmem_shared>>)
      %add3A_167 = arith.constant 3 : i32
      %add3A_168 = arith.addi %mul3A_16, %add3A_167 : i32
      %dma_wait3A_169 = arith.constant 0 : i32
      %dma_wait3A_170 = tpu.memref_slice %arg6[%add3A_168, %dma_wait3A_169] : memref<80x128xi32, #tpu.memory_space<vmem>> -> memref<1x128xi32, #tpu.memory_space<vmem>>
      %dma_wait3A_171 = tpu.memref_squeeze %dma_wait3A_170 : memref<1x128xi32, #tpu.memory_space<vmem>> -> memref<128xi32, #tpu.memory_space<vmem>>
      %dma_wait3A_172 = arith.constant 0 : i32
      %dma_wait3A_173 = arith.constant 0 : i32
      %dma_wait3A_174 = tpu.memref_slice %arg8[%dma_wait3A_172, %dma_wait3A_173] : memref<10112x16xf32, #tpu.memory_space<vmem_shared>> -> memref<10112x16xf32, #tpu.memory_space<vmem_shared>>
      tpu.wait_indirect_dma semaphore(%arg9 : memref<!tpu.dma_semaphore, #tpu.memory_space<semaphore_mem>>) src(%arg7 : memref<128x16xf32, #tpu.memory_space<vmem>>) dst(%dma_wait3A_174 : memref<10112x16xf32, #tpu.memory_space<vmem_shared>>)
      %add3A_175 = arith.constant 4 : i32
      %add3A_176 = arith.addi %mul3A_16, %add3A_175 : i32
      %dma_wait3A_177 = arith.constant 0 : i32
      %dma_wait3A_178 = tpu.memref_slice %arg6[%add3A_176, %dma_wait3A_177] : memref<80x128xi32, #tpu.memory_space<vmem>> -> memref<1x128xi32, #tpu.memory_space<vmem>>
      %dma_wait3A_179 = tpu.memref_squeeze %dma_wait3A_178 : memref<1x128xi32, #tpu.memory_space<vmem>> -> memref<128xi32, #tpu.memory_space<vmem>>
      %dma_wait3A_180 = arith.constant 0 : i32
      %dma_wait3A_181 = arith.constant 0 : i32
      %dma_wait3A_182 = tpu.memref_slice %arg8[%dma_wait3A_180, %dma_wait3A_181] : memref<10112x16xf32, #tpu.memory_space<vmem_shared>> -> memref<10112x16xf32, #tpu.memory_space<vmem_shared>>
      tpu.wait_indirect_dma semaphore(%arg9 : memref<!tpu.dma_semaphore, #tpu.memory_space<semaphore_mem>>) src(%arg7 : memref<128x16xf32, #tpu.memory_space<vmem>>) dst(%dma_wait3A_182 : memref<10112x16xf32, #tpu.memory_space<vmem_shared>>)
      %add3A_183 = arith.constant 5 : i32
      %add3A_184 = arith.addi %mul3A_16, %add3A_183 : i32
      %dma_wait3A_185 = arith.constant 0 : i32
      %dma_wait3A_186 = tpu.memref_slice %arg6[%add3A_184, %dma_wait3A_185] : memref<80x128xi32, #tpu.memory_space<vmem>> -> memref<1x128xi32, #tpu.memory_space<vmem>>
      %dma_wait3A_187 = tpu.memref_squeeze %dma_wait3A_186 : memref<1x128xi32, #tpu.memory_space<vmem>> -> memref<128xi32, #tpu.memory_space<vmem>>
      %dma_wait3A_188 = arith.constant 0 : i32
      %dma_wait3A_189 = arith.constant 0 : i32
      %dma_wait3A_190 = tpu.memref_slice %arg8[%dma_wait3A_188, %dma_wait3A_189] : memref<10112x16xf32, #tpu.memory_space<vmem_shared>> -> memref<10112x16xf32, #tpu.memory_space<vmem_shared>>
      tpu.wait_indirect_dma semaphore(%arg9 : memref<!tpu.dma_semaphore, #tpu.memory_space<semaphore_mem>>) src(%arg7 : memref<128x16xf32, #tpu.memory_space<vmem>>) dst(%dma_wait3A_190 : memref<10112x16xf32, #tpu.memory_space<vmem_shared>>)
      %add3A_191 = arith.constant 6 : i32
      %add3A_192 = arith.addi %mul3A_16, %add3A_191 : i32
      %dma_wait3A_193 = arith.constant 0 : i32
      %dma_wait3A_194 = tpu.memref_slice %arg6[%add3A_192, %dma_wait3A_193] : memref<80x128xi32, #tpu.memory_space<vmem>> -> memref<1x128xi32, #tpu.memory_space<vmem>>
      %dma_wait3A_195 = tpu.memref_squeeze %dma_wait3A_194 : memref<1x128xi32, #tpu.memory_space<vmem>> -> memref<128xi32, #tpu.memory_space<vmem>>
      %dma_wait3A_196 = arith.constant 0 : i32
      %dma_wait3A_197 = arith.constant 0 : i32
      %dma_wait3A_198 = tpu.memref_slice %arg8[%dma_wait3A_196, %dma_wait3A_197] : memref<10112x16xf32, #tpu.memory_space<vmem_shared>> -> memref<10112x16xf32, #tpu.memory_space<vmem_shared>>
      tpu.wait_indirect_dma semaphore(%arg9 : memref<!tpu.dma_semaphore, #tpu.memory_space<semaphore_mem>>) src(%arg7 : memref<128x16xf32, #tpu.memory_space<vmem>>) dst(%dma_wait3A_198 : memref<10112x16xf32, #tpu.memory_space<vmem_shared>>)
      %add3A_199 = arith.constant 7 : i32
      %add3A_200 = arith.addi %mul3A_16, %add3A_199 : i32
      %dma_wait3A_201 = arith.constant 0 : i32
      %dma_wait3A_202 = tpu.memref_slice %arg6[%add3A_200, %dma_wait3A_201] : memref<80x128xi32, #tpu.memory_space<vmem>> -> memref<1x128xi32, #tpu.memory_space<vmem>>
      %dma_wait3A_203 = tpu.memref_squeeze %dma_wait3A_202 : memref<1x128xi32, #tpu.memory_space<vmem>> -> memref<128xi32, #tpu.memory_space<vmem>>
      %dma_wait3A_204 = arith.constant 0 : i32
      %dma_wait3A_205 = arith.constant 0 : i32
      %dma_wait3A_206 = tpu.memref_slice %arg8[%dma_wait3A_204, %dma_wait3A_205] : memref<10112x16xf32, #tpu.memory_space<vmem_shared>> -> memref<10112x16xf32, #tpu.memory_space<vmem_shared>>
      tpu.wait_indirect_dma semaphore(%arg9 : memref<!tpu.dma_semaphore, #tpu.memory_space<semaphore_mem>>) src(%arg7 : memref<128x16xf32, #tpu.memory_space<vmem>>) dst(%dma_wait3A_206 : memref<10112x16xf32, #tpu.memory_space<vmem_shared>>)
      %add3A_207 = arith.constant 8 : i32
      %add3A_208 = arith.addi %mul3A_16, %add3A_207 : i32
      %dma_wait3A_209 = arith.constant 0 : i32
      %dma_wait3A_210 = tpu.memref_slice %arg6[%add3A_208, %dma_wait3A_209] : memref<80x128xi32, #tpu.memory_space<vmem>> -> memref<1x128xi32, #tpu.memory_space<vmem>>
      %dma_wait3A_211 = tpu.memref_squeeze %dma_wait3A_210 : memref<1x128xi32, #tpu.memory_space<vmem>> -> memref<128xi32, #tpu.memory_space<vmem>>
      %dma_wait3A_212 = arith.constant 0 : i32
      %dma_wait3A_213 = arith.constant 0 : i32
      %dma_wait3A_214 = tpu.memref_slice %arg8[%dma_wait3A_212, %dma_wait3A_213] : memref<10112x16xf32, #tpu.memory_space<vmem_shared>> -> memref<10112x16xf32, #tpu.memory_space<vmem_shared>>
      tpu.wait_indirect_dma semaphore(%arg9 : memref<!tpu.dma_semaphore, #tpu.memory_space<semaphore_mem>>) src(%arg7 : memref<128x16xf32, #tpu.memory_space<vmem>>) dst(%dma_wait3A_214 : memref<10112x16xf32, #tpu.memory_space<vmem_shared>>)
      %add3A_215 = arith.constant 9 : i32
      %add3A_216 = arith.addi %mul3A_16, %add3A_215 : i32
      %dma_wait3A_217 = arith.constant 0 : i32
      %dma_wait3A_218 = tpu.memref_slice %arg6[%add3A_216, %dma_wait3A_217] : memref<80x128xi32, #tpu.memory_space<vmem>> -> memref<1x128xi32, #tpu.memory_space<vmem>>
      %dma_wait3A_219 = tpu.memref_squeeze %dma_wait3A_218 : memref<1x128xi32, #tpu.memory_space<vmem>> -> memref<128xi32, #tpu.memory_space<vmem>>
      %dma_wait3A_220 = arith.constant 0 : i32
      %dma_wait3A_221 = arith.constant 0 : i32
      %dma_wait3A_222 = tpu.memref_slice %arg8[%dma_wait3A_220, %dma_wait3A_221] : memref<10112x16xf32, #tpu.memory_space<vmem_shared>> -> memref<10112x16xf32, #tpu.memory_space<vmem_shared>>
      tpu.wait_indirect_dma semaphore(%arg9 : memref<!tpu.dma_semaphore, #tpu.memory_space<semaphore_mem>>) src(%arg7 : memref<128x16xf32, #tpu.memory_space<vmem>>) dst(%dma_wait3A_222 : memref<10112x16xf32, #tpu.memory_space<vmem_shared>>)
      %add3A_223 = arith.constant 10 : i32
      %add3A_224 = arith.addi %mul3A_16, %add3A_223 : i32
      %dma_wait3A_225 = arith.constant 0 : i32
      %dma_wait3A_226 = tpu.memref_slice %arg6[%add3A_224, %dma_wait3A_225] : memref<80x128xi32, #tpu.memory_space<vmem>> -> memref<1x128xi32, #tpu.memory_space<vmem>>
      %dma_wait3A_227 = tpu.memref_squeeze %dma_wait3A_226 : memref<1x128xi32, #tpu.memory_space<vmem>> -> memref<128xi32, #tpu.memory_space<vmem>>
      %dma_wait3A_228 = arith.constant 0 : i32
      %dma_wait3A_229 = arith.constant 0 : i32
      %dma_wait3A_230 = tpu.memref_slice %arg8[%dma_wait3A_228, %dma_wait3A_229] : memref<10112x16xf32, #tpu.memory_space<vmem_shared>> -> memref<10112x16xf32, #tpu.memory_space<vmem_shared>>
      tpu.wait_indirect_dma semaphore(%arg9 : memref<!tpu.dma_semaphore, #tpu.memory_space<semaphore_mem>>) src(%arg7 : memref<128x16xf32, #tpu.memory_space<vmem>>) dst(%dma_wait3A_230 : memref<10112x16xf32, #tpu.memory_space<vmem_shared>>)
      %add3A_231 = arith.constant 11 : i32
      %add3A_232 = arith.addi %mul3A_16, %add3A_231 : i32
      %dma_wait3A_233 = arith.constant 0 : i32
      %dma_wait3A_234 = tpu.memref_slice %arg6[%add3A_232, %dma_wait3A_233] : memref<80x128xi32, #tpu.memory_space<vmem>> -> memref<1x128xi32, #tpu.memory_space<vmem>>
      %dma_wait3A_235 = tpu.memref_squeeze %dma_wait3A_234 : memref<1x128xi32, #tpu.memory_space<vmem>> -> memref<128xi32, #tpu.memory_space<vmem>>
      %dma_wait3A_236 = arith.constant 0 : i32
      %dma_wait3A_237 = arith.constant 0 : i32
      %dma_wait3A_238 = tpu.memref_slice %arg8[%dma_wait3A_236, %dma_wait3A_237] : memref<10112x16xf32, #tpu.memory_space<vmem_shared>> -> memref<10112x16xf32, #tpu.memory_space<vmem_shared>>
      tpu.wait_indirect_dma semaphore(%arg9 : memref<!tpu.dma_semaphore, #tpu.memory_space<semaphore_mem>>) src(%arg7 : memref<128x16xf32, #tpu.memory_space<vmem>>) dst(%dma_wait3A_238 : memref<10112x16xf32, #tpu.memory_space<vmem_shared>>)
      %add3A_239 = arith.constant 12 : i32
      %add3A_240 = arith.addi %mul3A_16, %add3A_239 : i32
      %dma_wait3A_241 = arith.constant 0 : i32
      %dma_wait3A_242 = tpu.memref_slice %arg6[%add3A_240, %dma_wait3A_241] : memref<80x128xi32, #tpu.memory_space<vmem>> -> memref<1x128xi32, #tpu.memory_space<vmem>>
      %dma_wait3A_243 = tpu.memref_squeeze %dma_wait3A_242 : memref<1x128xi32, #tpu.memory_space<vmem>> -> memref<128xi32, #tpu.memory_space<vmem>>
      %dma_wait3A_244 = arith.constant 0 : i32
      %dma_wait3A_245 = arith.constant 0 : i32
      %dma_wait3A_246 = tpu.memref_slice %arg8[%dma_wait3A_244, %dma_wait3A_245] : memref<10112x16xf32, #tpu.memory_space<vmem_shared>> -> memref<10112x16xf32, #tpu.memory_space<vmem_shared>>
      tpu.wait_indirect_dma semaphore(%arg9 : memref<!tpu.dma_semaphore, #tpu.memory_space<semaphore_mem>>) src(%arg7 : memref<128x16xf32, #tpu.memory_space<vmem>>) dst(%dma_wait3A_246 : memref<10112x16xf32, #tpu.memory_space<vmem_shared>>)
      %add3A_247 = arith.constant 13 : i32
      %add3A_248 = arith.addi %mul3A_16, %add3A_247 : i32
      %dma_wait3A_249 = arith.constant 0 : i32
      %dma_wait3A_250 = tpu.memref_slice %arg6[%add3A_248, %dma_wait3A_249] : memref<80x128xi32, #tpu.memory_space<vmem>> -> memref<1x128xi32, #tpu.memory_space<vmem>>
      %dma_wait3A_251 = tpu.memref_squeeze %dma_wait3A_250 : memref<1x128xi32, #tpu.memory_space<vmem>> -> memref<128xi32, #tpu.memory_space<vmem>>
      %dma_wait3A_252 = arith.constant 0 : i32
      %dma_wait3A_253 = arith.constant 0 : i32
      %dma_wait3A_254 = tpu.memref_slice %arg8[%dma_wait3A_252, %dma_wait3A_253] : memref<10112x16xf32, #tpu.memory_space<vmem_shared>> -> memref<10112x16xf32, #tpu.memory_space<vmem_shared>>
      tpu.wait_indirect_dma semaphore(%arg9 : memref<!tpu.dma_semaphore, #tpu.memory_space<semaphore_mem>>) src(%arg7 : memref<128x16xf32, #tpu.memory_space<vmem>>) dst(%dma_wait3A_254 : memref<10112x16xf32, #tpu.memory_space<vmem_shared>>)
      %add3A_255 = arith.constant 14 : i32
      %add3A_256 = arith.addi %mul3A_16, %add3A_255 : i32
      %dma_wait3A_257 = arith.constant 0 : i32
      %dma_wait3A_258 = tpu.memref_slice %arg6[%add3A_256, %dma_wait3A_257] : memref<80x128xi32, #tpu.memory_space<vmem>> -> memref<1x128xi32, #tpu.memory_space<vmem>>
      %dma_wait3A_259 = tpu.memref_squeeze %dma_wait3A_258 : memref<1x128xi32, #tpu.memory_space<vmem>> -> memref<128xi32, #tpu.memory_space<vmem>>
      %dma_wait3A_260 = arith.constant 0 : i32
      %dma_wait3A_261 = arith.constant 0 : i32
      %dma_wait3A_262 = tpu.memref_slice %arg8[%dma_wait3A_260, %dma_wait3A_261] : memref<10112x16xf32, #tpu.memory_space<vmem_shared>> -> memref<10112x16xf32, #tpu.memory_space<vmem_shared>>
      tpu.wait_indirect_dma semaphore(%arg9 : memref<!tpu.dma_semaphore, #tpu.memory_space<semaphore_mem>>) src(%arg7 : memref<128x16xf32, #tpu.memory_space<vmem>>) dst(%dma_wait3A_262 : memref<10112x16xf32, #tpu.memory_space<vmem_shared>>)
      %add3A_263 = arith.constant 15 : i32
      %add3A_264 = arith.addi %mul3A_16, %add3A_263 : i32
      %dma_wait3A_265 = arith.constant 0 : i32
      %dma_wait3A_266 = tpu.memref_slice %arg6[%add3A_264, %dma_wait3A_265] : memref<80x128xi32, #tpu.memory_space<vmem>> -> memref<1x128xi32, #tpu.memory_space<vmem>>
      %dma_wait3A_267 = tpu.memref_squeeze %dma_wait3A_266 : memref<1x128xi32, #tpu.memory_space<vmem>> -> memref<128xi32, #tpu.memory_space<vmem>>
      %dma_wait3A_268 = arith.constant 0 : i32
      %dma_wait3A_269 = arith.constant 0 : i32
      %dma_wait3A_270 = tpu.memref_slice %arg8[%dma_wait3A_268, %dma_wait3A_269] : memref<10112x16xf32, #tpu.memory_space<vmem_shared>> -> memref<10112x16xf32, #tpu.memory_space<vmem_shared>>
      tpu.wait_indirect_dma semaphore(%arg9 : memref<!tpu.dma_semaphore, #tpu.memory_space<semaphore_mem>>) src(%arg7 : memref<128x16xf32, #tpu.memory_space<vmem>>) dst(%dma_wait3A_270 : memref<10112x16xf32, #tpu.memory_space<vmem_shared>>)
    }
    %scan3A_8 = arith.constant 5 : i32
    %barrier3A_9 = arith.constant 0 : index
    tpu.barrier barrier_id(%barrier3A_9)
    "tpu.region"() ({
      %run_scoped3A = tpu.sem_alloc : memref<!tpu.dma_semaphore, #tpu.memory_space<semaphore_mem>>
      %dma_start3A = arith.constant 0 : i32
      %dma_start3A_10 = arith.constant 0 : i32
      %dma_start3A_11 = tpu.memref_slice %arg5[%arg0, %dma_start3A, %dma_start3A_10] : memref<2x10112x16xf32, #tpu.memory_space<hbm>> -> memref<1x10112x16xf32, #tpu.memory_space<hbm>>
      %dma_start3A_12 = tpu.memref_squeeze %dma_start3A_11 : memref<1x10112x16xf32, #tpu.memory_space<hbm>> -> memref<10112x16xf32, #tpu.memory_space<hbm>>
      %dma_start3A_13 = arith.constant 0 : i32
      %dma_start3A_14 = tpu.memref_slice %dma_start3A_12[%mul3A_0, %dma_start3A_13] : memref<10112x16xf32, #tpu.memory_space<hbm>> -> memref<632x16xf32, #tpu.memory_space<hbm>>
      %dma_start3A_15 = arith.constant 0 : i32
      %dma_start3A_16 = tpu.memref_slice %arg8[%mul3A_0, %dma_start3A_15] : memref<10112x16xf32, #tpu.memory_space<vmem_shared>> -> memref<632x16xf32, #tpu.memory_space<vmem_shared>>
      tpu.enqueue_dma source(%dma_start3A_16 : memref<632x16xf32, #tpu.memory_space<vmem_shared>>) target(%dma_start3A_14 : memref<632x16xf32, #tpu.memory_space<hbm>>) target_semaphore(%run_scoped3A : memref<!tpu.dma_semaphore, #tpu.memory_space<semaphore_mem>>)
      %dma_wait3A = arith.constant 0 : i32
      %dma_wait3A_17 = arith.constant 0 : i32
      %dma_wait3A_18 = tpu.memref_slice %arg5[%arg0, %dma_wait3A, %dma_wait3A_17] : memref<2x10112x16xf32, #tpu.memory_space<hbm>> -> memref<1x10112x16xf32, #tpu.memory_space<hbm>>
      %dma_wait3A_19 = tpu.memref_squeeze %dma_wait3A_18 : memref<1x10112x16xf32, #tpu.memory_space<hbm>> -> memref<10112x16xf32, #tpu.memory_space<hbm>>
      %dma_wait3A_20 = arith.constant 0 : i32
      %dma_wait3A_21 = tpu.memref_slice %dma_wait3A_19[%mul3A_0, %dma_wait3A_20] : memref<10112x16xf32, #tpu.memory_space<hbm>> -> memref<632x16xf32, #tpu.memory_space<hbm>>
      %dma_wait3A_22 = arith.constant 0 : i32
      %dma_wait3A_23 = tpu.memref_slice %arg8[%mul3A_0, %dma_wait3A_22] : memref<10112x16xf32, #tpu.memory_space<vmem_shared>> -> memref<632x16xf32, #tpu.memory_space<vmem_shared>>
      tpu.wait_dma2 semaphore(%run_scoped3A : memref<!tpu.dma_semaphore, #tpu.memory_space<semaphore_mem>>) src(%dma_wait3A_23 : memref<632x16xf32, #tpu.memory_space<vmem_shared>>) dst(%dma_wait3A_21 : memref<632x16xf32, #tpu.memory_space<hbm>>)
      tpu.yield
    }) : () -> ()
    return
  }
}

#map = affine_map<(d0, d1) -> (0, 0)>
#map1 = affine_map<(d0, d1) -> (0, 0, 0)>
module attributes {stable_mosaic.version = 14 : i64} {
  func.func @k(%arg0: i32, %arg1: i32, %arg2: memref<10112x128xf32, #tpu.memory_space<hbm>>, %arg3: memref<2560x128xi32, #tpu.memory_space<hbm>>, %arg4: memref<2562x128xi32, #tpu.memory_space<hbm>>, %arg5: memref<632x128xf32, #tpu.memory_space<hbm>>, %arg6: memref<2x128xi32, #tpu.memory_space<hbm>>, %arg7: memref<2x10112x128xf32, #tpu.memory_space<hbm>>, %arg8: memref<80x128xi32, #tpu.memory_space<vmem>>, %arg9: memref<2x128xi32, #tpu.memory_space<vmem>>, %arg10: memref<128x128xf32, #tpu.memory_space<vmem>>, %arg11: memref<128x128xf32, #tpu.memory_space<vmem>>, %arg12: memref<10112x128xf32, #tpu.memory_space<vmem_shared>>, %arg13: memref<!tpu.dma_semaphore, #tpu.memory_space<semaphore_mem>>, %arg14: memref<!tpu.dma_semaphore, #tpu.memory_space<semaphore_mem>>) attributes {dimension_semantics = [#tpu.dimension_semantics<core_parallel>, #tpu.dimension_semantics<subcore_parallel>], iteration_bounds = array<i64: 2, 16>, scalar_prefetch = 0 : i64, scratch_operands = 7 : i64, tpu.core_type = #tpu.core_type<sc_vector_subcore>, window_params = [{transform_indices = #map}, {transform_indices = #map}, {transform_indices = #map}, {transform_indices = #map}, {transform_indices = #map}, {transform_indices = #map1}]} {
    %mul3A = arith.constant 632 : i32
    %mul3A_0 = arith.muli %arg1, %mul3A : i32
    %mul3A_1 = arith.constant 16 : i32
    %mul3A_2 = arith.muli %arg0, %mul3A_1 : i32
    %add3A = arith.addi %mul3A_2, %arg1 : i32
    %mul3A_3 = arith.constant 80 : i32
    %mul3A_4 = arith.muli %add3A, %mul3A_3 : i32
    "tpu.region"() ({
      %run_scoped3A = tpu.sem_alloc : memref<!tpu.dma_semaphore, #tpu.memory_space<semaphore_mem>>
      %dma_start3A = arith.constant 0 : i32
      %dma_start3A_10 = tpu.memref_slice %arg12[%mul3A_0, %dma_start3A] : memref<10112x128xf32, #tpu.memory_space<vmem_shared>> -> memref<632x128xf32, #tpu.memory_space<vmem_shared>>
      tpu.enqueue_dma source(%arg5 : memref<632x128xf32, #tpu.memory_space<hbm>>) target(%dma_start3A_10 : memref<632x128xf32, #tpu.memory_space<vmem_shared>>) target_semaphore(%run_scoped3A : memref<!tpu.dma_semaphore, #tpu.memory_space<semaphore_mem>>)
      %dma_wait3A = arith.constant 0 : i32
      %dma_wait3A_11 = tpu.memref_slice %arg12[%mul3A_0, %dma_wait3A] : memref<10112x128xf32, #tpu.memory_space<vmem_shared>> -> memref<632x128xf32, #tpu.memory_space<vmem_shared>>
      tpu.wait_dma2 semaphore(%run_scoped3A : memref<!tpu.dma_semaphore, #tpu.memory_space<semaphore_mem>>) src(%arg5 : memref<632x128xf32, #tpu.memory_space<hbm>>) dst(%dma_wait3A_11 : memref<632x128xf32, #tpu.memory_space<vmem_shared>>)
      tpu.yield
    }) : () -> ()
    "tpu.region"() ({
      %run_scoped3A = tpu.sem_alloc : memref<!tpu.dma_semaphore, #tpu.memory_space<semaphore_mem>>
      %dma_start3A = arith.constant 0 : i32
      %dma_start3A_10 = tpu.memref_slice %arg3[%mul3A_4, %dma_start3A] : memref<2560x128xi32, #tpu.memory_space<hbm>> -> memref<80x128xi32, #tpu.memory_space<hbm>>
      %dma_start3A_11 = arith.constant 0 : i32
      %dma_start3A_12 = tpu.memref_slice %arg3[%mul3A_4, %dma_start3A_11] : memref<2560x128xi32, #tpu.memory_space<hbm>> -> memref<80x128xi32, #tpu.memory_space<hbm>>
      tpu.enqueue_dma source(%dma_start3A_12 : memref<80x128xi32, #tpu.memory_space<hbm>>) target(%arg8 : memref<80x128xi32, #tpu.memory_space<vmem>>) target_semaphore(%run_scoped3A : memref<!tpu.dma_semaphore, #tpu.memory_space<semaphore_mem>>)
      %dma_wait3A = arith.constant 0 : i32
      %dma_wait3A_13 = tpu.memref_slice %arg3[%mul3A_4, %dma_wait3A] : memref<2560x128xi32, #tpu.memory_space<hbm>> -> memref<80x128xi32, #tpu.memory_space<hbm>>
      %dma_wait3A_14 = arith.constant 0 : i32
      %dma_wait3A_15 = tpu.memref_slice %arg3[%mul3A_4, %dma_wait3A_14] : memref<2560x128xi32, #tpu.memory_space<hbm>> -> memref<80x128xi32, #tpu.memory_space<hbm>>
      tpu.wait_dma2 semaphore(%run_scoped3A : memref<!tpu.dma_semaphore, #tpu.memory_space<semaphore_mem>>) src(%dma_wait3A_15 : memref<80x128xi32, #tpu.memory_space<hbm>>) dst(%arg8 : memref<80x128xi32, #tpu.memory_space<vmem>>)
      tpu.yield
    }) : () -> ()
    %barrier3A = arith.constant 0 : index
    tpu.barrier barrier_id(%barrier3A)
    %scan3A = arith.constant 0 : i32
    %scan3A_5 = arith.constant 40 : i32
    %scan3A_6 = arith.addi %scan3A, %scan3A_5 : i32
    %scan3A_7 = arith.constant 1 : i32
    scf.for %scan3A_10 = %scan3A to %scan3A_6 step %scan3A_7  : i32 {
      %mul3A_11 = arith.constant 1 : i32
      %mul3A_12 = arith.muli %scan3A_10, %mul3A_11 : i32
      %add3A_13 = arith.constant 0 : i32
      %add3A_14 = arith.addi %add3A_13, %mul3A_12 : i32
      %mul3A_15 = arith.constant 2 : i32
      %mul3A_16 = arith.muli %add3A_14, %mul3A_15 : i32
      %add3A_17 = arith.constant 0 : i32
      %add3A_18 = arith.addi %mul3A_16, %add3A_17 : i32
      %dma_start3A = arith.constant 0 : i32
      %dma_start3A_19 = tpu.memref_slice %arg8[%add3A_18, %dma_start3A] : memref<80x128xi32, #tpu.memory_space<vmem>> -> memref<1x128xi32, #tpu.memory_space<vmem>>
      %dma_start3A_20 = tpu.memref_squeeze %dma_start3A_19 : memref<1x128xi32, #tpu.memory_space<vmem>> -> memref<128xi32, #tpu.memory_space<vmem>>
      %dma_start3A_21 = arith.constant 0 : i32
      %dma_start3A_22 = arith.constant 0 : i32
      %dma_start3A_23 = tpu.memref_slice %arg2[%dma_start3A_21, %dma_start3A_22] : memref<10112x128xf32, #tpu.memory_space<hbm>> -> memref<10112x128xf32, #tpu.memory_space<hbm>>
      tpu.enqueue_indirect_dma source(%dma_start3A_23 : memref<10112x128xf32, #tpu.memory_space<hbm>>) target(%arg10 : memref<128x128xf32, #tpu.memory_space<vmem>>) offsets(%dma_start3A_20 : memref<128xi32, #tpu.memory_space<vmem>>) semaphore(%arg13 : memref<!tpu.dma_semaphore, #tpu.memory_space<semaphore_mem>>)
      %add3A_24 = arith.constant 1 : i32
      %add3A_25 = arith.addi %mul3A_16, %add3A_24 : i32
      %dma_start3A_26 = arith.constant 0 : i32
      %dma_start3A_27 = tpu.memref_slice %arg8[%add3A_25, %dma_start3A_26] : memref<80x128xi32, #tpu.memory_space<vmem>> -> memref<1x128xi32, #tpu.memory_space<vmem>>
      %dma_start3A_28 = tpu.memref_squeeze %dma_start3A_27 : memref<1x128xi32, #tpu.memory_space<vmem>> -> memref<128xi32, #tpu.memory_space<vmem>>
      %dma_start3A_29 = arith.constant 0 : i32
      %dma_start3A_30 = arith.constant 0 : i32
      %dma_start3A_31 = tpu.memref_slice %arg2[%dma_start3A_29, %dma_start3A_30] : memref<10112x128xf32, #tpu.memory_space<hbm>> -> memref<10112x128xf32, #tpu.memory_space<hbm>>
      tpu.enqueue_indirect_dma source(%dma_start3A_31 : memref<10112x128xf32, #tpu.memory_space<hbm>>) target(%arg11 : memref<128x128xf32, #tpu.memory_space<vmem>>) offsets(%dma_start3A_28 : memref<128xi32, #tpu.memory_space<vmem>>) semaphore(%arg14 : memref<!tpu.dma_semaphore, #tpu.memory_space<semaphore_mem>>)
      %add3A_32 = arith.addi %mul3A_4, %mul3A_16 : i32
      "tpu.region"() ({
        %run_scoped3A = tpu.sem_alloc : memref<!tpu.dma_semaphore, #tpu.memory_space<semaphore_mem>>
        %dma_start3A_44 = arith.constant 0 : i32
        %dma_start3A_45 = tpu.memref_slice %arg4[%add3A_32, %dma_start3A_44] : memref<2562x128xi32, #tpu.memory_space<hbm>> -> memref<2x128xi32, #tpu.memory_space<hbm>>
        %dma_start3A_46 = arith.constant 0 : i32
        %dma_start3A_47 = tpu.memref_slice %arg4[%add3A_32, %dma_start3A_46] : memref<2562x128xi32, #tpu.memory_space<hbm>> -> memref<2x128xi32, #tpu.memory_space<hbm>>
        tpu.enqueue_dma source(%dma_start3A_47 : memref<2x128xi32, #tpu.memory_space<hbm>>) target(%arg9 : memref<2x128xi32, #tpu.memory_space<vmem>>) target_semaphore(%run_scoped3A : memref<!tpu.dma_semaphore, #tpu.memory_space<semaphore_mem>>)
        %dma_wait3A_48 = arith.constant 0 : i32
        %dma_wait3A_49 = tpu.memref_slice %arg4[%add3A_32, %dma_wait3A_48] : memref<2562x128xi32, #tpu.memory_space<hbm>> -> memref<2x128xi32, #tpu.memory_space<hbm>>
        %dma_wait3A_50 = arith.constant 0 : i32
        %dma_wait3A_51 = tpu.memref_slice %arg4[%add3A_32, %dma_wait3A_50] : memref<2562x128xi32, #tpu.memory_space<hbm>> -> memref<2x128xi32, #tpu.memory_space<hbm>>
        tpu.wait_dma2 semaphore(%run_scoped3A : memref<!tpu.dma_semaphore, #tpu.memory_space<semaphore_mem>>) src(%dma_wait3A_51 : memref<2x128xi32, #tpu.memory_space<hbm>>) dst(%arg9 : memref<2x128xi32, #tpu.memory_space<vmem>>)
        tpu.yield
      }) : () -> ()
      %dma_wait3A = arith.constant 0 : i32
      %dma_wait3A_33 = tpu.memref_slice %arg8[%add3A_18, %dma_wait3A] : memref<80x128xi32, #tpu.memory_space<vmem>> -> memref<1x128xi32, #tpu.memory_space<vmem>>
      %dma_wait3A_34 = tpu.memref_squeeze %dma_wait3A_33 : memref<1x128xi32, #tpu.memory_space<vmem>> -> memref<128xi32, #tpu.memory_space<vmem>>
      %dma_wait3A_35 = arith.constant 0 : i32
      %dma_wait3A_36 = arith.constant 0 : i32
      %dma_wait3A_37 = tpu.memref_slice %arg2[%dma_wait3A_35, %dma_wait3A_36] : memref<10112x128xf32, #tpu.memory_space<hbm>> -> memref<10112x128xf32, #tpu.memory_space<hbm>>
      tpu.wait_indirect_dma semaphore(%arg13 : memref<!tpu.dma_semaphore, #tpu.memory_space<semaphore_mem>>) src(%dma_wait3A_37 : memref<10112x128xf32, #tpu.memory_space<hbm>>) dst(%arg10 : memref<128x128xf32, #tpu.memory_space<vmem>>)
      %dma_wait3A_38 = arith.constant 0 : i32
      %dma_wait3A_39 = tpu.memref_slice %arg8[%add3A_25, %dma_wait3A_38] : memref<80x128xi32, #tpu.memory_space<vmem>> -> memref<1x128xi32, #tpu.memory_space<vmem>>
      %dma_wait3A_40 = tpu.memref_squeeze %dma_wait3A_39 : memref<1x128xi32, #tpu.memory_space<vmem>> -> memref<128xi32, #tpu.memory_space<vmem>>
      %dma_wait3A_41 = arith.constant 0 : i32
      %dma_wait3A_42 = arith.constant 0 : i32
      %dma_wait3A_43 = tpu.memref_slice %arg2[%dma_wait3A_41, %dma_wait3A_42] : memref<10112x128xf32, #tpu.memory_space<hbm>> -> memref<10112x128xf32, #tpu.memory_space<hbm>>
      tpu.wait_indirect_dma semaphore(%arg14 : memref<!tpu.dma_semaphore, #tpu.memory_space<semaphore_mem>>) src(%dma_wait3A_43 : memref<10112x128xf32, #tpu.memory_space<hbm>>) dst(%arg11 : memref<128x128xf32, #tpu.memory_space<vmem>>)
    }
    %scan3A_8 = arith.constant 40 : i32
    %barrier3A_9 = arith.constant 0 : index
    tpu.barrier barrier_id(%barrier3A_9)
    "tpu.region"() ({
      %run_scoped3A = tpu.sem_alloc : memref<!tpu.dma_semaphore, #tpu.memory_space<semaphore_mem>>
      %dma_start3A = arith.constant 0 : i32
      %dma_start3A_10 = arith.constant 0 : i32
      %dma_start3A_11 = tpu.memref_slice %arg7[%arg0, %dma_start3A, %dma_start3A_10] : memref<2x10112x128xf32, #tpu.memory_space<hbm>> -> memref<1x10112x128xf32, #tpu.memory_space<hbm>>
      %dma_start3A_12 = tpu.memref_squeeze %dma_start3A_11 : memref<1x10112x128xf32, #tpu.memory_space<hbm>> -> memref<10112x128xf32, #tpu.memory_space<hbm>>
      %dma_start3A_13 = arith.constant 0 : i32
      %dma_start3A_14 = tpu.memref_slice %dma_start3A_12[%mul3A_0, %dma_start3A_13] : memref<10112x128xf32, #tpu.memory_space<hbm>> -> memref<632x128xf32, #tpu.memory_space<hbm>>
      %dma_start3A_15 = arith.constant 0 : i32
      %dma_start3A_16 = tpu.memref_slice %arg12[%mul3A_0, %dma_start3A_15] : memref<10112x128xf32, #tpu.memory_space<vmem_shared>> -> memref<632x128xf32, #tpu.memory_space<vmem_shared>>
      tpu.enqueue_dma source(%dma_start3A_16 : memref<632x128xf32, #tpu.memory_space<vmem_shared>>) target(%dma_start3A_14 : memref<632x128xf32, #tpu.memory_space<hbm>>) target_semaphore(%run_scoped3A : memref<!tpu.dma_semaphore, #tpu.memory_space<semaphore_mem>>)
      %dma_wait3A = arith.constant 0 : i32
      %dma_wait3A_17 = arith.constant 0 : i32
      %dma_wait3A_18 = tpu.memref_slice %arg7[%arg0, %dma_wait3A, %dma_wait3A_17] : memref<2x10112x128xf32, #tpu.memory_space<hbm>> -> memref<1x10112x128xf32, #tpu.memory_space<hbm>>
      %dma_wait3A_19 = tpu.memref_squeeze %dma_wait3A_18 : memref<1x10112x128xf32, #tpu.memory_space<hbm>> -> memref<10112x128xf32, #tpu.memory_space<hbm>>
      %dma_wait3A_20 = arith.constant 0 : i32
      %dma_wait3A_21 = tpu.memref_slice %dma_wait3A_19[%mul3A_0, %dma_wait3A_20] : memref<10112x128xf32, #tpu.memory_space<hbm>> -> memref<632x128xf32, #tpu.memory_space<hbm>>
      %dma_wait3A_22 = arith.constant 0 : i32
      %dma_wait3A_23 = tpu.memref_slice %arg12[%mul3A_0, %dma_wait3A_22] : memref<10112x128xf32, #tpu.memory_space<vmem_shared>> -> memref<632x128xf32, #tpu.memory_space<vmem_shared>>
      tpu.wait_dma2 semaphore(%run_scoped3A : memref<!tpu.dma_semaphore, #tpu.memory_space<semaphore_mem>>) src(%dma_wait3A_23 : memref<632x128xf32, #tpu.memory_space<vmem_shared>>) dst(%dma_wait3A_21 : memref<632x128xf32, #tpu.memory_space<hbm>>)
      tpu.yield
    }) : () -> ()
    return
  }
}

#map = affine_map<(d0, d1) -> (0, 0)>
#map1 = affine_map<(d0, d1) -> (0, 0, 0)>
module attributes {stable_mosaic.version = 14 : i64} {
  func.func @k(%arg0: i32, %arg1: i32, %arg2: memref<10112x64xf32, #tpu.memory_space<hbm>>, %arg3: memref<2560x128xi32, #tpu.memory_space<hbm>>, %arg4: memref<2562x128xi32, #tpu.memory_space<hbm>>, %arg5: memref<632x64xf32, #tpu.memory_space<hbm>>, %arg6: memref<2x128xi32, #tpu.memory_space<hbm>>, %arg7: memref<2x10112x64xf32, #tpu.memory_space<hbm>>, %arg8: memref<80x128xi32, #tpu.memory_space<vmem>>, %arg9: memref<2x128xi32, #tpu.memory_space<vmem>>, %arg10: memref<128x64xf32, #tpu.memory_space<vmem>>, %arg11: memref<128x64xf32, #tpu.memory_space<vmem>>, %arg12: memref<10112x64xf32, #tpu.memory_space<vmem_shared>>, %arg13: memref<!tpu.dma_semaphore, #tpu.memory_space<semaphore_mem>>, %arg14: memref<!tpu.dma_semaphore, #tpu.memory_space<semaphore_mem>>) attributes {dimension_semantics = [#tpu.dimension_semantics<core_parallel>, #tpu.dimension_semantics<subcore_parallel>], iteration_bounds = array<i64: 2, 16>, scalar_prefetch = 0 : i64, scratch_operands = 7 : i64, tpu.core_type = #tpu.core_type<sc_vector_subcore>, window_params = [{transform_indices = #map}, {transform_indices = #map}, {transform_indices = #map}, {transform_indices = #map}, {transform_indices = #map}, {transform_indices = #map1}]} {
    %mul3A = arith.constant 632 : i32
    %mul3A_0 = arith.muli %arg1, %mul3A : i32
    %mul3A_1 = arith.constant 16 : i32
    %mul3A_2 = arith.muli %arg0, %mul3A_1 : i32
    %add3A = arith.addi %mul3A_2, %arg1 : i32
    %mul3A_3 = arith.constant 80 : i32
    %mul3A_4 = arith.muli %add3A, %mul3A_3 : i32
    "tpu.region"() ({
      %run_scoped3A = tpu.sem_alloc : memref<!tpu.dma_semaphore, #tpu.memory_space<semaphore_mem>>
      %dma_start3A = arith.constant 0 : i32
      %dma_start3A_10 = tpu.memref_slice %arg12[%mul3A_0, %dma_start3A] : memref<10112x64xf32, #tpu.memory_space<vmem_shared>> -> memref<632x64xf32, #tpu.memory_space<vmem_shared>>
      tpu.enqueue_dma source(%arg5 : memref<632x64xf32, #tpu.memory_space<hbm>>) target(%dma_start3A_10 : memref<632x64xf32, #tpu.memory_space<vmem_shared>>) target_semaphore(%run_scoped3A : memref<!tpu.dma_semaphore, #tpu.memory_space<semaphore_mem>>)
      %dma_wait3A = arith.constant 0 : i32
      %dma_wait3A_11 = tpu.memref_slice %arg12[%mul3A_0, %dma_wait3A] : memref<10112x64xf32, #tpu.memory_space<vmem_shared>> -> memref<632x64xf32, #tpu.memory_space<vmem_shared>>
      tpu.wait_dma2 semaphore(%run_scoped3A : memref<!tpu.dma_semaphore, #tpu.memory_space<semaphore_mem>>) src(%arg5 : memref<632x64xf32, #tpu.memory_space<hbm>>) dst(%dma_wait3A_11 : memref<632x64xf32, #tpu.memory_space<vmem_shared>>)
      tpu.yield
    }) : () -> ()
    "tpu.region"() ({
      %run_scoped3A = tpu.sem_alloc : memref<!tpu.dma_semaphore, #tpu.memory_space<semaphore_mem>>
      %dma_start3A = arith.constant 0 : i32
      %dma_start3A_10 = tpu.memref_slice %arg3[%mul3A_4, %dma_start3A] : memref<2560x128xi32, #tpu.memory_space<hbm>> -> memref<80x128xi32, #tpu.memory_space<hbm>>
      %dma_start3A_11 = arith.constant 0 : i32
      %dma_start3A_12 = tpu.memref_slice %arg3[%mul3A_4, %dma_start3A_11] : memref<2560x128xi32, #tpu.memory_space<hbm>> -> memref<80x128xi32, #tpu.memory_space<hbm>>
      tpu.enqueue_dma source(%dma_start3A_12 : memref<80x128xi32, #tpu.memory_space<hbm>>) target(%arg8 : memref<80x128xi32, #tpu.memory_space<vmem>>) target_semaphore(%run_scoped3A : memref<!tpu.dma_semaphore, #tpu.memory_space<semaphore_mem>>)
      %dma_wait3A = arith.constant 0 : i32
      %dma_wait3A_13 = tpu.memref_slice %arg3[%mul3A_4, %dma_wait3A] : memref<2560x128xi32, #tpu.memory_space<hbm>> -> memref<80x128xi32, #tpu.memory_space<hbm>>
      %dma_wait3A_14 = arith.constant 0 : i32
      %dma_wait3A_15 = tpu.memref_slice %arg3[%mul3A_4, %dma_wait3A_14] : memref<2560x128xi32, #tpu.memory_space<hbm>> -> memref<80x128xi32, #tpu.memory_space<hbm>>
      tpu.wait_dma2 semaphore(%run_scoped3A : memref<!tpu.dma_semaphore, #tpu.memory_space<semaphore_mem>>) src(%dma_wait3A_15 : memref<80x128xi32, #tpu.memory_space<hbm>>) dst(%arg8 : memref<80x128xi32, #tpu.memory_space<vmem>>)
      tpu.yield
    }) : () -> ()
    %barrier3A = arith.constant 0 : index
    tpu.barrier barrier_id(%barrier3A)
    %scan3A = arith.constant 0 : i32
    %scan3A_5 = arith.constant 40 : i32
    %scan3A_6 = arith.addi %scan3A, %scan3A_5 : i32
    %scan3A_7 = arith.constant 1 : i32
    scf.for %scan3A_10 = %scan3A to %scan3A_6 step %scan3A_7  : i32 {
      %mul3A_11 = arith.constant 1 : i32
      %mul3A_12 = arith.muli %scan3A_10, %mul3A_11 : i32
      %add3A_13 = arith.constant 0 : i32
      %add3A_14 = arith.addi %add3A_13, %mul3A_12 : i32
      %mul3A_15 = arith.constant 2 : i32
      %mul3A_16 = arith.muli %add3A_14, %mul3A_15 : i32
      %add3A_17 = arith.constant 0 : i32
      %add3A_18 = arith.addi %mul3A_16, %add3A_17 : i32
      %dma_start3A = arith.constant 0 : i32
      %dma_start3A_19 = tpu.memref_slice %arg8[%add3A_18, %dma_start3A] : memref<80x128xi32, #tpu.memory_space<vmem>> -> memref<1x128xi32, #tpu.memory_space<vmem>>
      %dma_start3A_20 = tpu.memref_squeeze %dma_start3A_19 : memref<1x128xi32, #tpu.memory_space<vmem>> -> memref<128xi32, #tpu.memory_space<vmem>>
      %dma_start3A_21 = arith.constant 0 : i32
      %dma_start3A_22 = arith.constant 0 : i32
      %dma_start3A_23 = tpu.memref_slice %arg2[%dma_start3A_21, %dma_start3A_22] : memref<10112x64xf32, #tpu.memory_space<hbm>> -> memref<10112x64xf32, #tpu.memory_space<hbm>>
      tpu.enqueue_indirect_dma source(%dma_start3A_23 : memref<10112x64xf32, #tpu.memory_space<hbm>>) target(%arg10 : memref<128x64xf32, #tpu.memory_space<vmem>>) offsets(%dma_start3A_20 : memref<128xi32, #tpu.memory_space<vmem>>) semaphore(%arg13 : memref<!tpu.dma_semaphore, #tpu.memory_space<semaphore_mem>>)
      %add3A_24 = arith.constant 1 : i32
      %add3A_25 = arith.addi %mul3A_16, %add3A_24 : i32
      %dma_start3A_26 = arith.constant 0 : i32
      %dma_start3A_27 = tpu.memref_slice %arg8[%add3A_25, %dma_start3A_26] : memref<80x128xi32, #tpu.memory_space<vmem>> -> memref<1x128xi32, #tpu.memory_space<vmem>>
      %dma_start3A_28 = tpu.memref_squeeze %dma_start3A_27 : memref<1x128xi32, #tpu.memory_space<vmem>> -> memref<128xi32, #tpu.memory_space<vmem>>
      %dma_start3A_29 = arith.constant 0 : i32
      %dma_start3A_30 = arith.constant 0 : i32
      %dma_start3A_31 = tpu.memref_slice %arg2[%dma_start3A_29, %dma_start3A_30] : memref<10112x64xf32, #tpu.memory_space<hbm>> -> memref<10112x64xf32, #tpu.memory_space<hbm>>
      tpu.enqueue_indirect_dma source(%dma_start3A_31 : memref<10112x64xf32, #tpu.memory_space<hbm>>) target(%arg11 : memref<128x64xf32, #tpu.memory_space<vmem>>) offsets(%dma_start3A_28 : memref<128xi32, #tpu.memory_space<vmem>>) semaphore(%arg14 : memref<!tpu.dma_semaphore, #tpu.memory_space<semaphore_mem>>)
      %add3A_32 = arith.addi %mul3A_4, %mul3A_16 : i32
      "tpu.region"() ({
        %run_scoped3A = tpu.sem_alloc : memref<!tpu.dma_semaphore, #tpu.memory_space<semaphore_mem>>
        %dma_start3A_44 = arith.constant 0 : i32
        %dma_start3A_45 = tpu.memref_slice %arg4[%add3A_32, %dma_start3A_44] : memref<2562x128xi32, #tpu.memory_space<hbm>> -> memref<2x128xi32, #tpu.memory_space<hbm>>
        %dma_start3A_46 = arith.constant 0 : i32
        %dma_start3A_47 = tpu.memref_slice %arg4[%add3A_32, %dma_start3A_46] : memref<2562x128xi32, #tpu.memory_space<hbm>> -> memref<2x128xi32, #tpu.memory_space<hbm>>
        tpu.enqueue_dma source(%dma_start3A_47 : memref<2x128xi32, #tpu.memory_space<hbm>>) target(%arg9 : memref<2x128xi32, #tpu.memory_space<vmem>>) target_semaphore(%run_scoped3A : memref<!tpu.dma_semaphore, #tpu.memory_space<semaphore_mem>>)
        %dma_wait3A_48 = arith.constant 0 : i32
        %dma_wait3A_49 = tpu.memref_slice %arg4[%add3A_32, %dma_wait3A_48] : memref<2562x128xi32, #tpu.memory_space<hbm>> -> memref<2x128xi32, #tpu.memory_space<hbm>>
        %dma_wait3A_50 = arith.constant 0 : i32
        %dma_wait3A_51 = tpu.memref_slice %arg4[%add3A_32, %dma_wait3A_50] : memref<2562x128xi32, #tpu.memory_space<hbm>> -> memref<2x128xi32, #tpu.memory_space<hbm>>
        tpu.wait_dma2 semaphore(%run_scoped3A : memref<!tpu.dma_semaphore, #tpu.memory_space<semaphore_mem>>) src(%dma_wait3A_51 : memref<2x128xi32, #tpu.memory_space<hbm>>) dst(%arg9 : memref<2x128xi32, #tpu.memory_space<vmem>>)
        tpu.yield
      }) : () -> ()
      %dma_wait3A = arith.constant 0 : i32
      %dma_wait3A_33 = tpu.memref_slice %arg8[%add3A_18, %dma_wait3A] : memref<80x128xi32, #tpu.memory_space<vmem>> -> memref<1x128xi32, #tpu.memory_space<vmem>>
      %dma_wait3A_34 = tpu.memref_squeeze %dma_wait3A_33 : memref<1x128xi32, #tpu.memory_space<vmem>> -> memref<128xi32, #tpu.memory_space<vmem>>
      %dma_wait3A_35 = arith.constant 0 : i32
      %dma_wait3A_36 = arith.constant 0 : i32
      %dma_wait3A_37 = tpu.memref_slice %arg2[%dma_wait3A_35, %dma_wait3A_36] : memref<10112x64xf32, #tpu.memory_space<hbm>> -> memref<10112x64xf32, #tpu.memory_space<hbm>>
      tpu.wait_indirect_dma semaphore(%arg13 : memref<!tpu.dma_semaphore, #tpu.memory_space<semaphore_mem>>) src(%dma_wait3A_37 : memref<10112x64xf32, #tpu.memory_space<hbm>>) dst(%arg10 : memref<128x64xf32, #tpu.memory_space<vmem>>)
      %dma_wait3A_38 = arith.constant 0 : i32
      %dma_wait3A_39 = tpu.memref_slice %arg8[%add3A_25, %dma_wait3A_38] : memref<80x128xi32, #tpu.memory_space<vmem>> -> memref<1x128xi32, #tpu.memory_space<vmem>>
      %dma_wait3A_40 = tpu.memref_squeeze %dma_wait3A_39 : memref<1x128xi32, #tpu.memory_space<vmem>> -> memref<128xi32, #tpu.memory_space<vmem>>
      %dma_wait3A_41 = arith.constant 0 : i32
      %dma_wait3A_42 = arith.constant 0 : i32
      %dma_wait3A_43 = tpu.memref_slice %arg2[%dma_wait3A_41, %dma_wait3A_42] : memref<10112x64xf32, #tpu.memory_space<hbm>> -> memref<10112x64xf32, #tpu.memory_space<hbm>>
      tpu.wait_indirect_dma semaphore(%arg14 : memref<!tpu.dma_semaphore, #tpu.memory_space<semaphore_mem>>) src(%dma_wait3A_43 : memref<10112x64xf32, #tpu.memory_space<hbm>>) dst(%arg11 : memref<128x64xf32, #tpu.memory_space<vmem>>)
    }
    %scan3A_8 = arith.constant 40 : i32
    %barrier3A_9 = arith.constant 0 : index
    tpu.barrier barrier_id(%barrier3A_9)
    "tpu.region"() ({
      %run_scoped3A = tpu.sem_alloc : memref<!tpu.dma_semaphore, #tpu.memory_space<semaphore_mem>>
      %dma_start3A = arith.constant 0 : i32
      %dma_start3A_10 = arith.constant 0 : i32
      %dma_start3A_11 = tpu.memref_slice %arg7[%arg0, %dma_start3A, %dma_start3A_10] : memref<2x10112x64xf32, #tpu.memory_space<hbm>> -> memref<1x10112x64xf32, #tpu.memory_space<hbm>>
      %dma_start3A_12 = tpu.memref_squeeze %dma_start3A_11 : memref<1x10112x64xf32, #tpu.memory_space<hbm>> -> memref<10112x64xf32, #tpu.memory_space<hbm>>
      %dma_start3A_13 = arith.constant 0 : i32
      %dma_start3A_14 = tpu.memref_slice %dma_start3A_12[%mul3A_0, %dma_start3A_13] : memref<10112x64xf32, #tpu.memory_space<hbm>> -> memref<632x64xf32, #tpu.memory_space<hbm>>
      %dma_start3A_15 = arith.constant 0 : i32
      %dma_start3A_16 = tpu.memref_slice %arg12[%mul3A_0, %dma_start3A_15] : memref<10112x64xf32, #tpu.memory_space<vmem_shared>> -> memref<632x64xf32, #tpu.memory_space<vmem_shared>>
      tpu.enqueue_dma source(%dma_start3A_16 : memref<632x64xf32, #tpu.memory_space<vmem_shared>>) target(%dma_start3A_14 : memref<632x64xf32, #tpu.memory_space<hbm>>) target_semaphore(%run_scoped3A : memref<!tpu.dma_semaphore, #tpu.memory_space<semaphore_mem>>)
      %dma_wait3A = arith.constant 0 : i32
      %dma_wait3A_17 = arith.constant 0 : i32
      %dma_wait3A_18 = tpu.memref_slice %arg7[%arg0, %dma_wait3A, %dma_wait3A_17] : memref<2x10112x64xf32, #tpu.memory_space<hbm>> -> memref<1x10112x64xf32, #tpu.memory_space<hbm>>
      %dma_wait3A_19 = tpu.memref_squeeze %dma_wait3A_18 : memref<1x10112x64xf32, #tpu.memory_space<hbm>> -> memref<10112x64xf32, #tpu.memory_space<hbm>>
      %dma_wait3A_20 = arith.constant 0 : i32
      %dma_wait3A_21 = tpu.memref_slice %dma_wait3A_19[%mul3A_0, %dma_wait3A_20] : memref<10112x64xf32, #tpu.memory_space<hbm>> -> memref<632x64xf32, #tpu.memory_space<hbm>>
      %dma_wait3A_22 = arith.constant 0 : i32
      %dma_wait3A_23 = tpu.memref_slice %arg12[%mul3A_0, %dma_wait3A_22] : memref<10112x64xf32, #tpu.memory_space<vmem_shared>> -> memref<632x64xf32, #tpu.memory_space<vmem_shared>>
      tpu.wait_dma2 semaphore(%run_scoped3A : memref<!tpu.dma_semaphore, #tpu.memory_space<semaphore_mem>>) src(%dma_wait3A_23 : memref<632x64xf32, #tpu.memory_space<vmem_shared>>) dst(%dma_wait3A_21 : memref<632x64xf32, #tpu.memory_space<hbm>>)
      tpu.yield
    }) : () -> ()
    return
  }
}

module attributes {stable_mosaic.version = 14 : i64} {
  func.func @body(%arg0: i32, %arg1: memref<632x128xf32, #tpu.memory_space<vmem>>, %arg2: memref<128x128xf32, #tpu.memory_space<vmem>>, %arg3: memref<632x128xf32, #tpu.memory_space<vmem>>) attributes {dimension_semantics = [#tpu.dimension_semantics<arbitrary>], iteration_bounds = array<i64: 16>, scalar_prefetch = 0 : i64, scratch_operands = 0 : i64, tpu.core_type = #tpu.core_type<tc>, window_params = [{transform_indices = @transform_0, window_bounds = array<i64: 632, 128>}, {pipeline_mode = #tpu.pipeline_mode<synchronous>, transform_indices = @transform_1, window_bounds = array<i64: 128, 128>}, {transform_indices = @transform_2, window_bounds = array<i64: 632, 128>}]} {
    %get3A = arith.constant 0 : index
    %get3A_0 = arith.constant 0 : index
    %get3A_1 = vector.load %arg1[%get3A, %get3A_0] : memref<632x128xf32, #tpu.memory_space<vmem>>, vector<632x128xf32>
    %get3A_2 = arith.constant 0 : index
    %get3A_3 = arith.constant 0 : index
    %get3A_4 = vector.load %arg2[%get3A_2, %get3A_3] : memref<128x128xf32, #tpu.memory_space<vmem>>, vector<128x128xf32>
    %dot_general3A = arith.constant dense<0.000000e+00> : vector<632x128xf32>
    %dot_general3A_5 = tpu.matmul %get3A_1, %get3A_4, %dot_general3A {dimension_numbers = #tpu.dot_dimension_numbers<[1], [0], [0], [1], [0, 0, 1, 1], [], []>, transpose_lhs_hint = false} : vector<632x128xf32>, vector<128x128xf32>, vector<632x128xf32> -> vector<632x128xf32>
    %swap3A = arith.constant 0 : index
    %swap3A_6 = arith.constant 0 : index
    %swap3A_7 = vector.load %arg3[%swap3A, %swap3A_6] : memref<632x128xf32, #tpu.memory_space<vmem>>, vector<632x128xf32>
    tpu.vector_store %arg3[%swap3A, %swap3A_6], %dot_general3A_5 {strides = array<i32>} : memref<632x128xf32, #tpu.memory_space<vmem>>, vector<632x128xf32>,
    return
  }
  func.func @transform_0(%arg0: i32) -> (i32, i32) {
    %c0_i32 = arith.constant 0 : i32
    %c0_i32_0 = arith.constant 0 : i32
    return %arg0, %c0_i32 : i32, i32
  }
  func.func @transform_1(%arg0: i32) -> (i32, i32) {
    %c0_i32 = arith.constant 0 : i32
    %c0_i32_0 = arith.constant 0 : i32
    %c0_i32_1 = arith.constant 0 : i32
    return %c0_i32, %c0_i32_0 : i32, i32
  }
  func.func @transform_2(%arg0: i32) -> (i32, i32) {
    %c0_i32 = arith.constant 0 : i32
    %c0_i32_0 = arith.constant 0 : i32
    return %arg0, %c0_i32 : i32, i32
  }
}

module attributes {stable_mosaic.version = 14 : i64} {
  func.func @body(%arg0: i32, %arg1: memref<632x128xf32, #tpu.memory_space<vmem>>, %arg2: memref<2x632x16xf32, #tpu.memory_space<vmem>>, %arg3: memref<632x128xf32, #tpu.memory_space<vmem>>) attributes {dimension_semantics = [#tpu.dimension_semantics<arbitrary>], iteration_bounds = array<i64: 16>, scalar_prefetch = 0 : i64, scratch_operands = 0 : i64, tpu.core_type = #tpu.core_type<tc>, window_params = [{transform_indices = @transform_0, window_bounds = array<i64: 632, 128>}, {transform_indices = @transform_1, window_bounds = array<i64: 2, 632, 16>}, {transform_indices = @transform_2, window_bounds = array<i64: 632, 128>}]} {
    %get3A = arith.constant 0 : index
    %get3A_0 = arith.constant 0 : index
    %get3A_1 = vector.load %arg1[%get3A, %get3A_0] : memref<632x128xf32, #tpu.memory_space<vmem>>, vector<632x128xf32>
    %get3A_2 = arith.constant 0 : index
    %get3A_3 = arith.constant 0 : index
    %get3A_4 = arith.constant 0 : index
    %get3A_5 = vector.load %arg2[%get3A_2, %get3A_3, %get3A_4] : memref<2x632x16xf32, #tpu.memory_space<vmem>>, vector<1x632x1xf32>
    %get3A_6 = vector.shape_cast %get3A_5 : vector<1x632x1xf32> to vector<632x1xf32>
    %get3A_7 = arith.constant 1 : index
    %get3A_8 = arith.constant 0 : index
    %get3A_9 = arith.constant 0 : index
    %get3A_10 = vector.load %arg2[%get3A_7, %get3A_8, %get3A_9] : memref<2x632x16xf32, #tpu.memory_space<vmem>>, vector<1x632x1xf32>
    %get3A_11 = vector.shape_cast %get3A_10 : vector<1x632x1xf32> to vector<632x1xf32>
    %add3A = arith.addf %get3A_6, %get3A_11 : vector<632x1xf32>
    %add3A_12 = arith.constant 1.000000e+00 : f32
    %add3A_13 = vector.broadcast %add3A_12 : f32 to vector<632x1xf32>
    %add3A_14 = arith.addf %add3A, %add3A_13 : vector<632x1xf32>
    %rsqrt3A = math.rsqrt %add3A_14 : vector<632x1xf32>
    %mul3A = vector.broadcast %rsqrt3A : vector<632x1xf32> to vector<632x128xf32>
    %mul3A_15 = arith.mulf %get3A_1, %mul3A : vector<632x128xf32>
    %swap3A = arith.constant 0 : index
    %swap3A_16 = arith.constant 0 : index
    %swap3A_17 = vector.load %arg3[%swap3A, %swap3A_16] : memref<632x128xf32, #tpu.memory_space<vmem>>, vector<632x128xf32>
    tpu.vector_store %arg3[%swap3A, %swap3A_16], %mul3A_15 {strides = array<i32>} : memref<632x128xf32, #tpu.memory_space<vmem>>, vector<632x128xf32>,
    return
  }
  func.func @transform_0(%arg0: i32) -> (i32, i32) {
    %c0_i32 = arith.constant 0 : i32
    %c0_i32_0 = arith.constant 0 : i32
    return %arg0, %c0_i32 : i32, i32
  }
  func.func @transform_1(%arg0: i32) -> (i32, i32, i32) {
    %c0_i32 = arith.constant 0 : i32
    %c0_i32_0 = arith.constant 0 : i32
    %c0_i32_1 = arith.constant 0 : i32
    return %c0_i32, %arg0, %c0_i32_0 : i32, i32, i32
  }
  func.func @transform_2(%arg0: i32) -> (i32, i32) {
    %c0_i32 = arith.constant 0 : i32
    %c0_i32_0 = arith.constant 0 : i32
    return %arg0, %c0_i32 : i32, i32
  }
}

module attributes {stable_mosaic.version = 14 : i64} {
  func.func @body(%arg0: i32, %arg1: memref<2x632x128xf32, #tpu.memory_space<vmem>>, %arg2: memref<632x128xf32, #tpu.memory_space<vmem>>, %arg3: memref<2x632x16xf32, #tpu.memory_space<vmem>>, %arg4: memref<1x128xf32, #tpu.memory_space<vmem>>, %arg5: memref<128x64xf32, #tpu.memory_space<vmem>>, %arg6: memref<632x64xf32, #tpu.memory_space<vmem>>) attributes {dimension_semantics = [#tpu.dimension_semantics<arbitrary>], iteration_bounds = array<i64: 16>, scalar_prefetch = 0 : i64, scratch_operands = 0 : i64, tpu.core_type = #tpu.core_type<tc>, window_params = [{transform_indices = @transform_0, window_bounds = array<i64: 2, 632, 128>}, {transform_indices = @transform_1, window_bounds = array<i64: 632, 128>}, {transform_indices = @transform_2, window_bounds = array<i64: 2, 632, 16>}, {pipeline_mode = #tpu.pipeline_mode<synchronous>, transform_indices = @transform_3, window_bounds = array<i64: 1, 128>}, {pipeline_mode = #tpu.pipeline_mode<synchronous>, transform_indices = @transform_4, window_bounds = array<i64: 128, 64>}, {transform_indices = @transform_5, window_bounds = array<i64: 632, 64>}]} {
    %get3A = arith.constant 0 : index
    %get3A_0 = arith.constant 0 : index
    %get3A_1 = arith.constant 0 : index
    %get3A_2 = vector.load %arg3[%get3A, %get3A_0, %get3A_1] : memref<2x632x16xf32, #tpu.memory_space<vmem>>, vector<1x632x1xf32>
    %get3A_3 = vector.shape_cast %get3A_2 : vector<1x632x1xf32> to vector<632x1xf32>
    %get3A_4 = arith.constant 1 : index
    %get3A_5 = arith.constant 0 : index
    %get3A_6 = arith.constant 0 : index
    %get3A_7 = vector.load %arg3[%get3A_4, %get3A_5, %get3A_6] : memref<2x632x16xf32, #tpu.memory_space<vmem>>, vector<1x632x1xf32>
    %get3A_8 = vector.shape_cast %get3A_7 : vector<1x632x1xf32> to vector<632x1xf32>
    %add3A = arith.addf %get3A_3, %get3A_8 : vector<632x1xf32>
    %add3A_9 = arith.constant 1.000000e+00 : f32
    %add3A_10 = vector.broadcast %add3A_9 : f32 to vector<632x1xf32>
    %add3A_11 = arith.addf %add3A, %add3A_10 : vector<632x1xf32>
    %rsqrt3A = math.rsqrt %add3A_11 : vector<632x1xf32>
    %get3A_12 = arith.constant 0 : index
    %get3A_13 = arith.constant 0 : index
    %get3A_14 = arith.constant 0 : index
    %get3A_15 = vector.load %arg1[%get3A_12, %get3A_13, %get3A_14] : memref<2x632x128xf32, #tpu.memory_space<vmem>>, vector<1x632x128xf32>
    %get3A_16 = vector.shape_cast %get3A_15 : vector<1x632x128xf32> to vector<632x128xf32>
    %get3A_17 = arith.constant 1 : index
    %get3A_18 = arith.constant 0 : index
    %get3A_19 = arith.constant 0 : index
    %get3A_20 = vector.load %arg1[%get3A_17, %get3A_18, %get3A_19] : memref<2x632x128xf32, #tpu.memory_space<vmem>>, vector<1x632x128xf32>
    %get3A_21 = vector.shape_cast %get3A_20 : vector<1x632x128xf32> to vector<632x128xf32>
    %add3A_22 = arith.addf %get3A_16, %get3A_21 : vector<632x128xf32>
    %get3A_23 = arith.constant 0 : index
    %get3A_24 = arith.constant 0 : index
    %get3A_25 = vector.load %arg2[%get3A_23, %get3A_24] : memref<632x128xf32, #tpu.memory_space<vmem>>, vector<632x128xf32>
    %add3A_26 = arith.addf %add3A_22, %get3A_25 : vector<632x128xf32>
    %mul3A = vector.broadcast %rsqrt3A : vector<632x1xf32> to vector<632x128xf32>
    %mul3A_27 = arith.mulf %add3A_26, %mul3A : vector<632x128xf32>
    %get3A_28 = arith.constant 0 : index
    %get3A_29 = arith.constant 0 : index
    %get3A_30 = vector.load %arg4[%get3A_28, %get3A_29] : memref<1x128xf32, #tpu.memory_space<vmem>>, vector<1x128xf32>
    %add3A_31 = vector.broadcast %get3A_30 : vector<1x128xf32> to vector<632x128xf32>
    %add3A_32 = arith.addf %mul3A_27, %add3A_31 : vector<632x128xf32>
    %max3A = arith.constant 0.000000e+00 : f32
    %max3A_33 = vector.broadcast %max3A : f32 to vector<632x128xf32>
    %max3A_34 = arith.maximumf %add3A_32, %max3A_33 : vector<632x128xf32>
    %get3A_35 = arith.constant 0 : index
    %get3A_36 = arith.constant 0 : index
    %get3A_37 = vector.load %arg5[%get3A_35, %get3A_36] : memref<128x64xf32, #tpu.memory_space<vmem>>, vector<128x64xf32>
    %dot_general3A = arith.constant dense<0.000000e+00> : vector<632x64xf32>
    %dot_general3A_38 = tpu.matmul %max3A_34, %get3A_37, %dot_general3A {dimension_numbers = #tpu.dot_dimension_numbers<[1], [0], [0], [1], [0, 0, 1, 1], [], []>, transpose_lhs_hint = false} : vector<632x128xf32>, vector<128x64xf32>, vector<632x64xf32> -> vector<632x64xf32>
    %mul3A_39 = vector.broadcast %rsqrt3A : vector<632x1xf32> to vector<632x64xf32>
    %mul3A_40 = arith.mulf %dot_general3A_38, %mul3A_39 : vector<632x64xf32>
    %swap3A = arith.constant 0 : index
    %swap3A_41 = arith.constant 0 : index
    %swap3A_42 = vector.load %arg6[%swap3A, %swap3A_41] : memref<632x64xf32, #tpu.memory_space<vmem>>, vector<632x64xf32>
    tpu.vector_store %arg6[%swap3A, %swap3A_41], %mul3A_40 {strides = array<i32>} : memref<632x64xf32, #tpu.memory_space<vmem>>, vector<632x64xf32>,
    return
  }
  func.func @transform_0(%arg0: i32) -> (i32, i32, i32) {
    %c0_i32 = arith.constant 0 : i32
    %c0_i32_0 = arith.constant 0 : i32
    %c0_i32_1 = arith.constant 0 : i32
    return %c0_i32, %arg0, %c0_i32_0 : i32, i32, i32
  }
  func.func @transform_1(%arg0: i32) -> (i32, i32) {
    %c0_i32 = arith.constant 0 : i32
    %c0_i32_0 = arith.constant 0 : i32
    return %arg0, %c0_i32 : i32, i32
  }
  func.func @transform_2(%arg0: i32) -> (i32, i32, i32) {
    %c0_i32 = arith.constant 0 : i32
    %c0_i32_0 = arith.constant 0 : i32
    %c0_i32_1 = arith.constant 0 : i32
    return %c0_i32, %arg0, %c0_i32_0 : i32, i32, i32
  }
  func.func @transform_3(%arg0: i32) -> (i32, i32) {
    %c0_i32 = arith.constant 0 : i32
    %c0_i32_0 = arith.constant 0 : i32
    %c0_i32_1 = arith.constant 0 : i32
    return %c0_i32, %c0_i32_0 : i32, i32
  }
  func.func @transform_4(%arg0: i32) -> (i32, i32) {
    %c0_i32 = arith.constant 0 : i32
    %c0_i32_0 = arith.constant 0 : i32
    %c0_i32_1 = arith.constant 0 : i32
    return %c0_i32, %c0_i32_0 : i32, i32
  }
  func.func @transform_5(%arg0: i32) -> (i32, i32) {
    %c0_i32 = arith.constant 0 : i32
    %c0_i32_0 = arith.constant 0 : i32
    return %arg0, %c0_i32 : i32, i32
  }
}

module attributes {stable_mosaic.version = 14 : i64} {
  func.func @body(%arg0: i32, %arg1: memref<2x632x64xf32, #tpu.memory_space<vmem>>, %arg2: memref<632x64xf32, #tpu.memory_space<vmem>>, %arg3: memref<2x632x16xf32, #tpu.memory_space<vmem>>, %arg4: memref<1x64xf32, #tpu.memory_space<vmem>>, %arg5: memref<632x64xf32, #tpu.memory_space<vmem>>) attributes {dimension_semantics = [#tpu.dimension_semantics<arbitrary>], iteration_bounds = array<i64: 16>, scalar_prefetch = 0 : i64, scratch_operands = 0 : i64, tpu.core_type = #tpu.core_type<tc>, window_params = [{transform_indices = @transform_0, window_bounds = array<i64: 2, 632, 64>}, {transform_indices = @transform_1, window_bounds = array<i64: 632, 64>}, {transform_indices = @transform_2, window_bounds = array<i64: 2, 632, 16>}, {pipeline_mode = #tpu.pipeline_mode<synchronous>, transform_indices = @transform_3, window_bounds = array<i64: 1, 64>}, {transform_indices = @transform_4, window_bounds = array<i64: 632, 64>}]} {
    %get3A = arith.constant 0 : index
    %get3A_0 = arith.constant 0 : index
    %get3A_1 = arith.constant 0 : index
    %get3A_2 = vector.load %arg3[%get3A, %get3A_0, %get3A_1] : memref<2x632x16xf32, #tpu.memory_space<vmem>>, vector<1x632x1xf32>
    %get3A_3 = vector.shape_cast %get3A_2 : vector<1x632x1xf32> to vector<632x1xf32>
    %get3A_4 = arith.constant 1 : index
    %get3A_5 = arith.constant 0 : index
    %get3A_6 = arith.constant 0 : index
    %get3A_7 = vector.load %arg3[%get3A_4, %get3A_5, %get3A_6] : memref<2x632x16xf32, #tpu.memory_space<vmem>>, vector<1x632x1xf32>
    %get3A_8 = vector.shape_cast %get3A_7 : vector<1x632x1xf32> to vector<632x1xf32>
    %add3A = arith.addf %get3A_3, %get3A_8 : vector<632x1xf32>
    %add3A_9 = arith.constant 1.000000e+00 : f32
    %add3A_10 = vector.broadcast %add3A_9 : f32 to vector<632x1xf32>
    %add3A_11 = arith.addf %add3A, %add3A_10 : vector<632x1xf32>
    %rsqrt3A = math.rsqrt %add3A_11 : vector<632x1xf32>
    %get3A_12 = arith.constant 0 : index
    %get3A_13 = arith.constant 0 : index
    %get3A_14 = arith.constant 0 : index
    %get3A_15 = vector.load %arg1[%get3A_12, %get3A_13, %get3A_14] : memref<2x632x64xf32, #tpu.memory_space<vmem>>, vector<1x632x64xf32>
    %get3A_16 = vector.shape_cast %get3A_15 : vector<1x632x64xf32> to vector<632x64xf32>
    %get3A_17 = arith.constant 1 : index
    %get3A_18 = arith.constant 0 : index
    %get3A_19 = arith.constant 0 : index
    %get3A_20 = vector.load %arg1[%get3A_17, %get3A_18, %get3A_19] : memref<2x632x64xf32, #tpu.memory_space<vmem>>, vector<1x632x64xf32>
    %get3A_21 = vector.shape_cast %get3A_20 : vector<1x632x64xf32> to vector<632x64xf32>
    %add3A_22 = arith.addf %get3A_16, %get3A_21 : vector<632x64xf32>
    %get3A_23 = arith.constant 0 : index
    %get3A_24 = arith.constant 0 : index
    %get3A_25 = vector.load %arg2[%get3A_23, %get3A_24] : memref<632x64xf32, #tpu.memory_space<vmem>>, vector<632x64xf32>
    %add3A_26 = arith.addf %add3A_22, %get3A_25 : vector<632x64xf32>
    %mul3A = vector.broadcast %rsqrt3A : vector<632x1xf32> to vector<632x64xf32>
    %mul3A_27 = arith.mulf %add3A_26, %mul3A : vector<632x64xf32>
    %get3A_28 = arith.constant 0 : index
    %get3A_29 = arith.constant 0 : index
    %get3A_30 = vector.load %arg4[%get3A_28, %get3A_29] : memref<1x64xf32, #tpu.memory_space<vmem>>, vector<1x64xf32>
    %add3A_31 = vector.broadcast %get3A_30 : vector<1x64xf32> to vector<632x64xf32>
    %add3A_32 = arith.addf %mul3A_27, %add3A_31 : vector<632x64xf32>
    %swap3A = arith.constant 0 : index
    %swap3A_33 = arith.constant 0 : index
    %swap3A_34 = vector.load %arg5[%swap3A, %swap3A_33] : memref<632x64xf32, #tpu.memory_space<vmem>>, vector<632x64xf32>
    tpu.vector_store %arg5[%swap3A, %swap3A_33], %add3A_32 {strides = array<i32>} : memref<632x64xf32, #tpu.memory_space<vmem>>, vector<632x64xf32>,
    return
  }
  func.func @transform_0(%arg0: i32) -> (i32, i32, i32) {
    %c0_i32 = arith.constant 0 : i32
    %c0_i32_0 = arith.constant 0 : i32
    %c0_i32_1 = arith.constant 0 : i32
    return %c0_i32, %arg0, %c0_i32_0 : i32, i32, i32
  }
  func.func @transform_1(%arg0: i32) -> (i32, i32) {
    %c0_i32 = arith.constant 0 : i32
    %c0_i32_0 = arith.constant 0 : i32
    return %arg0, %c0_i32 : i32, i32
  }
  func.func @transform_2(%arg0: i32) -> (i32, i32, i32) {
    %c0_i32 = arith.constant 0 : i32
    %c0_i32_0 = arith.constant 0 : i32
    %c0_i32_1 = arith.constant 0 : i32
    return %c0_i32, %arg0, %c0_i32_0 : i32, i32, i32
  }
  func.func @transform_3(%arg0: i32) -> (i32, i32) {
    %c0_i32 = arith.constant 0 : i32
    %c0_i32_0 = arith.constant 0 : i32
    %c0_i32_1 = arith.constant 0 : i32
    return %c0_i32, %c0_i32_0 : i32, i32
  }
  func.func @transform_4(%arg0: i32) -> (i32, i32) {
    %c0_i32 = arith.constant 0 : i32
    %c0_i32_0 = arith.constant 0 : i32
    return %arg0, %c0_i32 : i32, i32
  }
}

</mosaic_0001>

<sc_bundles>
// kernel: kernel.12.cloned.1.call-start
scs
__scs_entry_jumppad:
0x0: {  	(pc) =	sbr.rel $0x88, $3  }
0x1: {  	(tag) =	ssettag $0x0;
	lr =	simm.s32 $0x1  }
0x2: {  	[smem:$0x3F9B] =	sst lr;
	_ =	strace $0xD0000000  }
0x3: {  	_ = 	snop  }
0x4: {  	_ = 	snop  }
0x5: {  	_ = 	snop  }
0x6: {  	_ = 	snop  }
0x7: {  	_ = 	snop  }
__scs_overlays_trampoline_lowered:
0x8: {  	[smem:$0x3FAA] =	sst s0  }
0x9: {  	[smem:$0x3FAB] =	sst s1  }
0xa: {  	[smem:$0x3FAC] =	sst s2  }
0xb: {  	[smem:$0x3FAD] =	sst s3  }
0xc: {  	[smem:$0x3FAE] =	sst s4  }
0xd: {  	[smem:$0x3FAF] =	sst s5  }
0xe: {  	[smem:$0x3FB0] =	sst s6  }
0xf: {  	[smem:$0x3FB1] =	sst s7  }
0x10: {  	[smem:$0x3FB2] =	sst s8  }
0x11: {  	[smem:$0x3FB3] =	sst s9;
	s0 =	simm.s32 @!p0 $0x0  }
0x12: {  	s1 =	sld [smem:$0x3F99];
	s0 =	simm.s32 @p0 $0x1  }
0x13: {  	[smem:$0x3FB4] =	sst s0;
	s0 =	simm.s32 @!p1 $0x0  }
0x14: {  	s2 =	sld [smem:$0x3F98];
	s0 =	simm.s32 @p1 $0x1  }
0x15: {  	[smem:$0x3FB5] =	sst s0;
	s0 =	simm.s32 @!p2 $0x0  }
0x16: {  	s3 =	sld [smem:$0x3FDB];
	s0 =	simm.s32 @p2 $0x1  }
0x17: {  	s4 =	simm.s32 $0x1BF5;
	[smem:$0x3FB7] =	sst s0  }
0x18: {  	s0 =	sld [smem:$0x3F9A];
	_ =	swait.ge [sflag:s4], $0x0  }
0x19: {  	s7 =	sld [smem:$0x3F9B]  }
0x1a: {  	s8 =	sadd.s32 $0xFFFFE003, lr  }
0x1b: {  	s9 =	sadd.s32 $0xFFFFFEF7, lr;
	s5 =	simm.s32 $0xFFFFFFFF;
	p2 =	slt.u32 s8, $0xFFFFF086  }
0x1c: {  	p1 =	slt.u32 s9, $0xF7A;
	s5 =	simm.s32 @!p2 $0x0  }
0x1d: {  	s5 =	simm.s32 @p1 $0x1;
	p0 =	seq.s32 s7, s2  }
0x1e: {  	s7 =	smul.u32 @!p0 $0xF7A, s2;
	p2 =	seq.s32 @!p0 s5, $0x0  }
0x1f: {  	s9 =	smul.u32 $0xF7A, s1;
	s8 =	simm.s32 @!p0 $0x1BF5;
	p2 =	por !p2, p0  }
0x20: {  	[sflag:s8] =	ssyncset.s32 @!p0 $0xFFFFF086;
	s6 =	sadd.s32 @!p0 s3, s7;
	s7 =	simm.s32 @!p0 $0x108  }
0x21: {  	s3 =	sadd.s32 s3, s9;
	s6 =	sadd.s32 @!p0 $0x88, s6;
	s7 =	simm.s32 @p2 $0x1082  }
0x22: {  	[simem:s7], [sflag:s8] =	dma.local @!p0 [hbm:s6], $0xF7A  }
0x23: {  	s9 =	sor.u32 $0xD0000000, s2;
	s6 =	simm.s32 $0x108;
	_ =	swait.ge @!p0 [sflag:s8], $0x0  }
0x24: {  	s3 =	sadd.s32 $0x88, s3;
	s6 =	simm.s32 @!p1 $0x1082;
	[sflag:s4] =	ssyncset.s32 $0xFFFFF086  }
0x25: {  	[simem:s6], [sflag:s4] =	dma.local [hbm:s3], $0xF7A  }
0x26: {  	[smem:$0x3F9B] =	sst s1;
	(tag) =	ssettag s2;
	_ =	strace s9  }
0x27: {  	s1 =	sld [smem:$0x3FAB]  }
0x28: {  	s2 =	sld [smem:$0x3FAC]  }
0x29: {  	s4 =	sld [smem:$0x3FAE]  }
0x2a: {  	p0 =	seq.s32 s5, $0x0;
	s5 =	sld [smem:$0x3FAF]  }
0x2b: {  	s6 =	sld [smem:$0x3FB0]  }
0x2c: {  	s7 =	sld [smem:$0x3FB1]  }
0x2d: {  	s3 =	simm.s32 $0x108;
	s8 =	sld [smem:$0x3FB2]  }
0x2e: {  	s3 =	simm.s32 @!p0 $0x1082;
	s9 =	sld [smem:$0x3FB3]  }
0x2f: {  	lr =	sadd.s32 s0, s3;
	s0 =	sld [smem:$0x3FAA]  }
0x30: {  	s3 =	sld [smem:$0x3FAD]  }
0x31: {  	[smem:$0x3FB6] =	sst s10  }
0x32: {  	s10 =	sld [smem:$0x3FB4];
	_ =	sdelay $0x3  }
0x33: {  	p0 =	seq.s32 s10, $0x1;
	s10 =	sld [smem:$0x3FB6];
	_ =	sdelay $0x3  }
0x34: {  	[smem:$0x3FB6] =	sst s10  }
0x35: {  	s10 =	sld [smem:$0x3FB5];
	_ =	sdelay $0x3  }
0x36: {  	p1 =	seq.s32 s10, $0x1;
	s10 =	sld [smem:$0x3FB6];
	_ =	sdelay $0x3  }
0x37: {  	[smem:$0x3FB6] =	sst s10  }
0x38: {  	s10 =	sld [smem:$0x3FB7]  }
0x39: {  	_ = 	snop;
	(pc) =	sbr.ind lr, $3  }
0x3a: {  	_ = 	snop  }
0x3b: {  	_ = 	snop  }
0x3c: {  	p2 =	seq.s32 s10, $0x1;
	s10 =	sld [smem:$0x3FB6]  }
0x3d: {  	_ =	shalt  }
0x3e: {  	_ =	shalt  }
0x3f: {  	_ =	shalt  }
0x40: {  	_ =	shalt  }
0x41: {  	_ =	shalt  }
0x42: {  	_ =	shalt  }
0x43: {  	_ =	shalt  }
0x44: {  	_ =	shalt  }
0x45: {  	_ =	shalt  }
0x46: {  	_ =	shalt  }
0x47: {  	_ =	shalt  }
0x48: {  	_ =	shalt  }
0x49: {  	_ =	shalt  }
0x4a: {  	_ =	shalt  }
0x4b: {  	_ =	shalt  }
0x4c: {  	_ =	shalt  }
0x4d: {  	_ =	shalt  }
0x4e: {  	_ =	shalt  }
0x4f: {  	_ =	shalt  }
0x50: {  	_ =	shalt  }
0x51: {  	_ =	shalt  }
0x52: {  	_ =	shalt  }
0x53: {  	_ =	shalt  }
0x54: {  	_ =	shalt  }
0x55: {  	_ =	shalt  }
0x56: {  	_ =	shalt  }
0x57: {  	_ =	shalt  }
0x58: {  	_ =	shalt  }
0x59: {  	_ =	shalt  }
0x5a: {  	_ =	shalt  }
0x5b: {  	_ =	shalt  }
0x5c: {  	_ =	shalt  }
0x5d: {  	_ =	shalt  }
0x5e: {  	_ =	shalt  }
0x5f: {  	_ =	shalt  }
0x60: {  	_ =	shalt  }
0x61: {  	_ =	shalt  }
0x62: {  	_ =	shalt  }
0x63: {  	_ =	shalt  }
0x64: {  	_ =	shalt  }
0x65: {  	_ =	shalt  }
0x66: {  	_ =	shalt  }
0x67: {  	_ =	shalt  }
0x68: {  	_ =	shalt  }
0x69: {  	_ =	shalt  }
0x6a: {  	_ =	shalt  }
0x6b: {  	_ =	shalt  }
0x6c: {  	_ =	shalt  }
0x6d: {  	_ =	shalt  }
0x6e: {  	_ =	shalt  }
0x6f: {  	_ =	shalt  }
0x70: {  	_ =	shalt  }
0x71: {  	_ =	shalt  }
0x72: {  	_ =	shalt  }
0x73: {  	_ =	shalt  }
0x74: {  	_ =	shalt  }
0x75: {  	_ =	shalt  }
0x76: {  	_ =	shalt  }
0x77: {  	_ =	shalt  }
0x78: {  	_ =	shalt  }
0x79: {  	_ =	shalt  }
0x7a: {  	_ =	shalt  }
0x7b: {  	_ =	shalt  }
0x7c: {  	_ =	shalt  }
0x7d: {  	_ =	shalt  }
0x7e: {  	_ =	shalt  }
0x7f: {  	_ =	shalt  }
0x80: {  	_ =	shalt  }
0x81: {  	_ =	shalt  }
0x82: {  	_ =	shalt  }
0x83: {  	_ =	shalt  }
0x84: {  	_ =	shalt  }
0x85: {  	_ =	shalt  }
0x86: {  	_ =	shalt  }
0x87: {  	_ =	shalt  }
.Lfunc_end0:
.L_simem_size_0:
called_computation.1_lowered:
.L_overlay_start_0:
0x88: {  	s2 =	sld [smem:$0x3FD9]  }
0x89: {  	s3 =	sld [smem:$0x3FFE];
	_ =	sdelay $0x1  }
0x8a: {  	s1 =	srdreg.scid  }
0x8b: {  	s0 =	sand.u32 $0x1, s1  }
0x8c: {  	s17 =	sshll.u32 s0, $0xA;
	s2 =	sadd.s32 s3, s2  }
0x8d: {  	s2 =	sadd.s32 s2, s17  }
0x8e: {  	[smem:$0x3FC2] =	sst s2  }
0x8f: {  	_ = 	snop  }
0x90: {  	s2 =	sld [smem:$0x3FD0];
	(tm) =	ssettm $0x1  }
0x91: {  	s18 =	sld [smem:$0x3FFB];
	_ =	sdelay $0x3  }
0x92: {  	_ =	strace s18  }
0x93: {  	s3 =	sld [smem:$0x3FFC];
	_ =	sdelay $0x3  }
0x94: {  	_ =	strace s3  }
0x95: {  	s3 =	sld [smem:$0x3FFD];
	_ =	sdelay $0x3  }
0x96: {  	_ =	strace s3  }
0x97: {  	_ =	strace $0x8FFFFFFF  }
0x98: {  	s19 =	sld [smem:$0x3FDB];
	_ =	sdelay $0x1  }
0x99: {  	s4 =	simm.s32 $_scs_section_size  }
0x9a: {  	s5 =	simm.s32 $_size__tile_overlayer_lowered;
	s6 =	simm.s32 $_tile_overlayer_lowered  }
0x9b: {  	s22 =	simm.s32 $0x1BFF;
	s21 =	sshll.u32 s6, $0x1;
	s3 =	sadd.s32 s4, s19  }
0x9c: {  	s7 =	simm.s32 $0x0;
	s20 =	sshll.u32 s5, $0x1;
	s5 =	sadd.s32 s21, s3  }
0x9d: {  	[timem:s7], [sflag:s22] =	dma.local [hbm:s5], s20  }
0x9e: {  	_ =	swait.ge [sflag:s22], s20  }
0x9f: {  	s4 =	ssub.s32 $0x0, s20;
	[sflag:s22] =	ssyncset.done $0x0  }
0xa0: {  	[sflag:s22] =	ssyncadd.s32 s4;
	_ =	sdelay $0x1  }
0xa1: {  	s23 =	simm.s32 $0x1B8B  }
0xa2: {  	_ =	swait.ge [sflag:s23], $0x1  }
0xa3: {  	[sflag:s23] =	ssyncset.done $0x0  }
0xa4: {  	s25 =	simm.s32 $0x1B8E;
	s24 =	sld [smem:$0x3FFE];
	[sflag:s23] =	ssyncadd.s32 $0xFFFFFFFF  }
0xa5: {  	s26 =	simm.s32 $execute0_lowered;
	[smem:$0x3FD2] =	sst s25  }
0xa6: {  	s5 =	sshll.u32 s26, $0x1;
	_ =	strace $0x80000049;
	[dreg:$0x1] =	wrdreg $0xFFFFFFFF  }
0xa7: {  	s28 =	simm.s32 $_size_execute0_lowered;
	s3 =	sadd.s32 s3, s5;
	[dreg:$0x0] =	wrdreg $0x0  }
0xa8: {  	s5 =	sshll.u32 s28, $0x1;
	[dreg:$0x2] =	wrdreg s3  }
0xa9: {  	[dreg:$0x3] =	wrdreg s5  }
0xaa: {  	[dreg:$0x4] =	wrdreg $0xC0  }
0xab: {  	_ =	task [dreg:s7], $0x5FFFF  }
0xac: {  	[dreg:$0x1] =	wrdreg $0xFFFFFFFF  }
0xad: {  	[dreg:$0x0] =	wrdreg $0x60  }
0xae: {  	[dreg:$0x2] =	wrdreg s24  }
0xaf: {  	[dreg:$0x3] =	wrdreg s2  }
0xb0: {  	[dreg:$0x4] =	wrdreg $0xA9000  }
0xb1: {  	[dreg:$0x5] =	wrdreg $0x9  }
0xb2: {  	_ =	task.clear_ibuf [dreg:s7], $0x6FFFF;
	_ =	strace $0x90000049  }
0xb3: {  	s29 =	simm.s32 $0x9;
	_ =	strace $0x8000004B  }
0xb4: {  	_ =	swait.ge [sflag:s29], $0x1  }
0xb5: {  	[sflag:s29] =	ssyncadd.s32 $0xFFFFFFFF  }
0xb6: {  	_ =	strace $0x9000004B  }
0xb7: {  	_ =	sfence  }
0xb8: {  	s30 =	sld [smem:$0x0];
	_ =	sdelay $0x2  }
0xb9: {  	s31 =	sshll.u32 s1, $0xD;
	s1 =	sshrl.u32 s1, $0x2  }
0xba: {  	s3 =	sand.u32 $0x4000, s31;
	s1 =	sadd.s32 s1, s30  }
0xbb: {  	s0 =	sor.u32 s3, s0;
	s1 =	sshll.u32 s1, $0x11  }
0xbc: {  	s0 =	sor.u32 s1, s0  }
0xbd: {  	s0 =	sadd.s32 $0x8F2B, s0  }
0xbe: {  	[sflag:s0] =	ssyncadd.remote.s32 $0x1  }
0xbf: {  	_ =	sfence.sel $0xFFFF  }
0xc0: {  	[dreg:$0x0] =	wrdreg $0xFFFFFFFF;
	(pc) =	sbr.abs _section_cstart, $3  }
0xc1: {  	[dreg:$0x1] =	wrdreg $0xFFFFFFFF  }
0xc2: {  	_ =	task.clear_ibuf [dreg:s7], $0x2FFFF;
	_ =	strace $0x9FFFFFFF  }
0xc3: {  	(tm) =	ssettm $0x7FFFFFFF  }
tec
execute0_lowered:
.L_overlay_start_1:
0x0: {  	(tag) =	ssettag $0x1  }
0x1: {  	s5 =	rddreg [dreg:$0x0]  }
0x2: {  	s1 =	rddreg [dreg:$0x1]  }
0x3: {  	s6 =	rddreg [dreg:$0x2]  }
0x4: {  	s2 =	srdreg.scid;
	s0 =	rddreg [dreg:$0x3]  }
0x5: {  	s3 =	simm.s32 $0x0;
	s14 =	simm.s32 $0x2800;
	s7 =	sand.u32 $0x1, s2  }
0x6: {  	s15 =	simm.s32 $0x1;
	s2 =	stileid.u32;
	s8 =	smul.u32 $0x28000, s7  }
0x7: {  	s16 =	simm.s32 $0x2;
	[smem:$0x7FF] =	sst s3;
	s9 =	smul.u32 $0x2800, s2  }
0x8: {  	s4 =	sshll.u32 s7, $0x4;
	_ =	strace $0x8000004A;
	s30 =	smul.u32 $0x27800, s7  }
0x9: {  	s7 =	ssub.s32 $0x2, s7;
	s11 =	smul.u32 $0x13C00, s2;
	s4 =	sor.u32 s2, s4  }
0xa: {  	s12 =	sshll.u32 s2, $0x6;
	s31 =	sshrl.u32 s7, $0x1;
	s10 =	smul.u32 $0x500, s4  }
0xb: {  	s4 =	sadd.s32 $0x65C00, s5;
	s8 =	sadd.s32 s9, s8;
	s7 =	ssub.s32 s7, s31  }
0xc: {  	s13 =	sadd.s32 s11, s6;
	s18 =	sshrl.u32 s11, $0x3;
	s11 =	simm.s32 $0x80  }
0xd: {  	s8 =	sshrl.u32 s8, $0x3;
	s7 =	smax.u32 s7, $0x1;
	s9 =	sshrl.u32 s13, $0x3  }
0xe: {  	s13 =	simm.s32 $0x6900;
	s29 =	sadd.s32 s10, s5;
	s8 =	sadd.s32 s8, s5  }
0xf: {  	s10 =	sadd.s32 s30, s5;
	s5 =	sor.u32 $0x1C03, s12;
	s12 =	simm.s32 $0x2900  }
0x10: {  	s6 =	sadd.s32 $0xCC00, s29;
	s17 =	sadd.s32 $0x8D400, s10;
	s8 =	sadd.s32 $0x2200, s8  }
0x11: {  	s10 =	simm.s32 $0x3;
	s17 =	sadd.s32 s18, s17;
	s18 =	simm.s32 $0x0  }
.LBB2_1:
0x12: {  	[spmem:s9], [sflag:s5] =	dma.local [hbm:s1], $0x2780  }
0x13: {  	_ =	swait.ge [sflag:s10], $0x2780  }
0x14: {  	[sflag:s10] =	ssyncset.done $0x0  }
0x15: {  	[sflag:s10] =	ssyncadd.s32 $0xFFFFD880  }
0x16: {  	[tilespmem:s3], [sflag:$0x3] =	stream.linear.gather [hbm4b:s6+s3], $0x2800, $0x38;
	[tilespmem:$0x1E500] =	vst v63  }
0x17: {  	_ =	swait.ge [sflag:s10], $0x2800  }
0x18: {  	[sflag:s10] =	ssyncset.done $0x0  }
0x19: {  	[sflag:s10] =	ssyncadd.s32 $0xFFFFD800  }
0x1a: {  	s19 =	simm.s32 $0x0;
	[bflag:$0x0] =	sbarrier.arrive $0xFFFF  }
0x1b: {  	[tilespmem:s12], [sflag:$0x1] =	stream.indirect.gather [hbm4b:s4+s11], $0x80, s19, s11, $0xb8;
	[tilespmem:$0x1E500] =	vst v63  }
0x1c: {  	_ = 	snop  }
0x1d: {  	[tilespmem:s13], [sflag:$0x2] =	stream.indirect.gather [hbm4b:s4+s11], $0x80, s11, s11, $0xb8;
	[tilespmem:$0x1E500] =	vst v63  }
0x1e: {  	s31 =	sadd.s32 $0x0, s8  }
0x1f: {  	[tilespmem:s14], [sflag:$0x3] =	stream.linear.gather [hbm4b:s31+s3], $0x100, $0x38;
	[tilespmem:$0x1E500] =	vst v63  }
0x20: {  	_ =	swait.ge [sflag:s10], $0x100  }
0x21: {  	[sflag:s10] =	ssyncset.done $0x0  }
0x22: {  	[sflag:s10] =	ssyncadd.s32 $0xFFFFFF00  }
0x23: {  	_ =	swait.ge [sflag:s15], $0x4000  }
0x24: {  	[sflag:s15] =	ssyncset.done $0x0  }
0x25: {  	[sflag:s15] =	ssyncadd.s32 $0xFFFFC000  }
0x26: {  	s21 =	simm.s32 $0x40;
	_ =	swait.ge [sflag:s16], $0x4000  }
0x27: {  	s20 =	simm.s32 $0x180;
	s19 =	simm.s32 $0x20;
	[sflag:s16] =	ssyncset.done $0x0  }
.LBB2_2:
0x28: {  	p0 =	sne.s32 s21, $0x4E0;
	s22 =	sadd.s32 $0xFFFFFF80, s20;
	[sflag:s16] =	ssyncadd.s32 $0xFFFFC000  }
0x29: {  	[tilespmem:s12], [sflag:$0x1] =	stream.indirect.gather [hbm4b:s4+s11], $0x80, s22, s11, $0xb8;
	[tilespmem:$0x1E500] =	vst v63  }
0x2a: {  	s22 =	smov.u32 s21;
	s21 =	sadd.s32 $0x20, s21  }
0x2b: {  	[tilespmem:s13], [sflag:$0x2] =	stream.indirect.gather [hbm4b:s4+s11], $0x80, s20, s11, $0xb8;
	[tilespmem:$0x1E500] =	vst v63  }
0x2c: {  	s23 =	sadd.s32 s19, s8;
	s19 =	smov.u32 s22  }
0x2d: {  	[tilespmem:s14], [sflag:$0x3] =	stream.linear.gather [hbm4b:s23+s3], $0x100, $0x38;
	[tilespmem:$0x1E500] =	vst v63  }
0x2e: {  	_ =	swait.ge [sflag:s10], $0x100  }
0x2f: {  	[sflag:s10] =	ssyncset.done $0x0  }
0x30: {  	[sflag:s10] =	ssyncadd.s32 $0xFFFFFF00  }
.Ltmp0:
0x31: {  	_ =	swait.ge [sflag:s15], $0x4000;
	(pc) =	sbr.rel @p0 .LBB2_2-.Ltmp0, $4  }
0x32: {  	[sflag:s15] =	ssyncset.done $0x0  }
0x33: {  	[sflag:s15] =	ssyncadd.s32 $0xFFFFC000  }
0x34: {  	_ =	swait.ge [sflag:s16], $0x4000  }
0x35: {  	s20 =	sadd.s32 $0x100, s20;
	[sflag:s16] =	ssyncset.done $0x0  }
0x36: {  	s21 =	sadd.s32 $0xFFFFFF80, s20;
	[sflag:s16] =	ssyncadd.s32 $0xFFFFC000  }
0x37: {  	[tilespmem:s12], [sflag:$0x1] =	stream.indirect.gather [hbm4b:s4+s11], $0x80, s21, s11, $0xb8;
	[tilespmem:$0x1E500] =	vst v63  }
0x38: {  	_ = 	snop  }
0x39: {  	[tilespmem:s13], [sflag:$0x2] =	stream.indirect.gather [hbm4b:s4+s11], $0x80, s20, s11, $0xb8;
	[tilespmem:$0x1E500] =	vst v63  }
0x3a: {  	s19 =	sadd.s32 s19, s8  }
0x3b: {  	[tilespmem:s14], [sflag:$0x3] =	stream.linear.gather [hbm4b:s19+s3], $0x100, $0x38;
	[tilespmem:$0x1E500] =	vst v63  }
0x3c: {  	_ =	swait.ge [sflag:s10], $0x100  }
0x3d: {  	[sflag:s10] =	ssyncset.done $0x0  }
0x3e: {  	[sflag:s10] =	ssyncadd.s32 $0xFFFFFF00  }
0x3f: {  	_ =	swait.ge [sflag:s15], $0x4000  }
0x40: {  	[sflag:s15] =	ssyncset.done $0x0  }
0x41: {  	[sflag:s15] =	ssyncadd.s32 $0xFFFFC000  }
0x42: {  	_ =	swait.ge [sflag:s16], $0x4000  }
0x43: {  	s18 =	sadd.s32 $0x1, s18;
	[sflag:s16] =	ssyncset.done $0x0  }
0x44: {  	p0 =	sne.s32 s18, s7;
	[sflag:s16] =	ssyncadd.s32 $0xFFFFC000  }
.Ltmp1:
0x45: {  	[bflag:$0x0] =	sbarrier.arrive $0xFFFF;
	(pc) =	sbr.rel @p0 .LBB2_1-.Ltmp1, $4  }
0x46: {  	[hbm:s17], [sflag:s5] =	dma.local [spmem:s9], $0x2780  }
0x47: {  	_ =	swait.ge [sflag:s10], $0x2780  }
0x48: {  	[sflag:s10] =	ssyncset.done $0x0  }
0x49: {  	[sflag:s10] =	ssyncadd.s32 $0xFFFFD880  }
0x4a: {  	_ =	sfence.sel $0x180000  }
0x4b: {  	[bflag:$0x0] =	sbarrier.arrive $0xFFFF  }
0x4c: {  	p0 =	sne.s32 s2, $0x0;
	_ =	strace $0x9000004A  }
0x4d: {  	s0 =	sadd.s32 @!p0 $0x100000, s0;
	[bflag:$0x2] =	sbarrier.arrive $0xFFFF  }
0x4e: {  	[sflag:s0] =	ssyncadd.tile.s32 @!p0 $0x1;
	_ =	shalt  }
.Lfunc_end2:
_tile_overlayer_lowered:
.L_overlay_start_2:
0x4f: {  	(tag) =	ssettag $0x2  }
0x50: {  	s0 =	rddreg [dreg:$0x0];
	s2 =	stileid.u32  }
0x51: {  	s1 =	rddreg [dreg:$0x1];
	p0 =	sne.s32 s2, $0x0  }
0x52: {  	s3 =	rddreg [dreg:$0x2];
	[bflag:$0x3] =	sbarrier.arrive $0xFFFF;
	s2 =	simm.s32 @!p0 $0x1C03  }
0x53: {  	[timem:s3], [sflag:s2] =	dma.local @!p0 [hbm:s0], s1  }
0x54: {  	s0 =	simm.s32 @!p0 $0x3  }
0x55: {  	_ =	swait.ge @!p0 [sflag:s0], s1  }
0x56: {  	s1 =	ssub.s32 @!p0 $0x0, s1;
	[sflag:s0] =	ssyncset.done @!p0 $0x0  }
0x57: {  	[sflag:s0] =	ssyncadd.s32 @!p0 s1  }
0x58: {  	[bflag:$0x3] =	sbarrier.arrive $0xFFFF  }
0x59: {  	_ =	shalt  }

// kernel: kernel.15.cloned.1.call-start
scs
__scs_entry_jumppad:
0x0: {  	(pc) =	sbr.rel $0x88, $3  }
0x1: {  	(tag) =	ssettag $0x0;
	lr =	simm.s32 $0x1  }
0x2: {  	[smem:$0x3F9B] =	sst lr;
	_ =	strace $0xD0000000  }
0x3: {  	_ = 	snop  }
0x4: {  	_ = 	snop  }
0x5: {  	_ = 	snop  }
0x6: {  	_ = 	snop  }
0x7: {  	_ = 	snop  }
__scs_overlays_trampoline_lowered:
0x8: {  	[smem:$0x3FAA] =	sst s0  }
0x9: {  	[smem:$0x3FAB] =	sst s1  }
0xa: {  	[smem:$0x3FAC] =	sst s2  }
0xb: {  	[smem:$0x3FAD] =	sst s3  }
0xc: {  	[smem:$0x3FAE] =	sst s4  }
0xd: {  	[smem:$0x3FAF] =	sst s5  }
0xe: {  	[smem:$0x3FB0] =	sst s6  }
0xf: {  	[smem:$0x3FB1] =	sst s7  }
0x10: {  	[smem:$0x3FB2] =	sst s8  }
0x11: {  	[smem:$0x3FB3] =	sst s9;
	s0 =	simm.s32 @!p0 $0x0  }
0x12: {  	s1 =	sld [smem:$0x3F99];
	s0 =	simm.s32 @p0 $0x1  }
0x13: {  	[smem:$0x3FB4] =	sst s0;
	s0 =	simm.s32 @!p1 $0x0  }
0x14: {  	s2 =	sld [smem:$0x3F98];
	s0 =	simm.s32 @p1 $0x1  }
0x15: {  	[smem:$0x3FB5] =	sst s0;
	s0 =	simm.s32 @!p2 $0x0  }
0x16: {  	s3 =	sld [smem:$0x3FDB];
	s0 =	simm.s32 @p2 $0x1  }
0x17: {  	s4 =	simm.s32 $0x1BF5;
	[smem:$0x3FB7] =	sst s0  }
0x18: {  	s0 =	sld [smem:$0x3F9A];
	_ =	swait.ge [sflag:s4], $0x0  }
0x19: {  	s7 =	sld [smem:$0x3F9B]  }
0x1a: {  	s8 =	sadd.s32 $0xFFFFE003, lr  }
0x1b: {  	s9 =	sadd.s32 $0xFFFFFEF7, lr;
	s5 =	simm.s32 $0xFFFFFFFF;
	p2 =	slt.u32 s8, $0xFFFFF086  }
0x1c: {  	p1 =	slt.u32 s9, $0xF7A;
	s5 =	simm.s32 @!p2 $0x0  }
0x1d: {  	s5 =	simm.s32 @p1 $0x1;
	p0 =	seq.s32 s7, s2  }
0x1e: {  	s7 =	smul.u32 @!p0 $0xF7A, s2;
	p2 =	seq.s32 @!p0 s5, $0x0  }
0x1f: {  	s9 =	smul.u32 $0xF7A, s1;
	s8 =	simm.s32 @!p0 $0x1BF5;
	p2 =	por !p2, p0  }
0x20: {  	[sflag:s8] =	ssyncset.s32 @!p0 $0xFFFFF086;
	s6 =	sadd.s32 @!p0 s3, s7;
	s7 =	simm.s32 @!p0 $0x108  }
0x21: {  	s3 =	sadd.s32 s3, s9;
	s6 =	sadd.s32 @!p0 $0x88, s6;
	s7 =	simm.s32 @p2 $0x1082  }
0x22: {  	[simem:s7], [sflag:s8] =	dma.local @!p0 [hbm:s6], $0xF7A  }
0x23: {  	s9 =	sor.u32 $0xD0000000, s2;
	s6 =	simm.s32 $0x108;
	_ =	swait.ge @!p0 [sflag:s8], $0x0  }
0x24: {  	s3 =	sadd.s32 $0x88, s3;
	s6 =	simm.s32 @!p1 $0x1082;
	[sflag:s4] =	ssyncset.s32 $0xFFFFF086  }
0x25: {  	[simem:s6], [sflag:s4] =	dma.local [hbm:s3], $0xF7A  }
0x26: {  	[smem:$0x3F9B] =	sst s1;
	(tag) =	ssettag s2;
	_ =	strace s9  }
0x27: {  	s1 =	sld [smem:$0x3FAB]  }
0x28: {  	s2 =	sld [smem:$0x3FAC]  }
0x29: {  	s4 =	sld [smem:$0x3FAE]  }
0x2a: {  	p0 =	seq.s32 s5, $0x0;
	s5 =	sld [smem:$0x3FAF]  }
0x2b: {  	s6 =	sld [smem:$0x3FB0]  }
0x2c: {  	s7 =	sld [smem:$0x3FB1]  }
0x2d: {  	s3 =	simm.s32 $0x108;
	s8 =	sld [smem:$0x3FB2]  }
0x2e: {  	s3 =	simm.s32 @!p0 $0x1082;
	s9 =	sld [smem:$0x3FB3]  }
0x2f: {  	lr =	sadd.s32 s0, s3;
	s0 =	sld [smem:$0x3FAA]  }
0x30: {  	s3 =	sld [smem:$0x3FAD]  }
0x31: {  	[smem:$0x3FB6] =	sst s10  }
0x32: {  	s10 =	sld [smem:$0x3FB4];
	_ =	sdelay $0x3  }
0x33: {  	p0 =	seq.s32 s10, $0x1;
	s10 =	sld [smem:$0x3FB6];
	_ =	sdelay $0x3  }
0x34: {  	[smem:$0x3FB6] =	sst s10  }
0x35: {  	s10 =	sld [smem:$0x3FB5];
	_ =	sdelay $0x3  }
0x36: {  	p1 =	seq.s32 s10, $0x1;
	s10 =	sld [smem:$0x3FB6];
	_ =	sdelay $0x3  }
0x37: {  	[smem:$0x3FB6] =	sst s10  }
0x38: {  	s10 =	sld [smem:$0x3FB7]  }
0x39: {  	_ = 	snop;
	(pc) =	sbr.ind lr, $3  }
0x3a: {  	_ = 	snop  }
0x3b: {  	_ = 	snop  }
0x3c: {  	p2 =	seq.s32 s10, $0x1;
	s10 =	sld [smem:$0x3FB6]  }
0x3d: {  	_ =	shalt  }
0x3e: {  	_ =	shalt  }
0x3f: {  	_ =	shalt  }
0x40: {  	_ =	shalt  }
0x41: {  	_ =	shalt  }
0x42: {  	_ =	shalt  }
0x43: {  	_ =	shalt  }
0x44: {  	_ =	shalt  }
0x45: {  	_ =	shalt  }
0x46: {  	_ =	shalt  }
0x47: {  	_ =	shalt  }
0x48: {  	_ =	shalt  }
0x49: {  	_ =	shalt  }
0x4a: {  	_ =	shalt  }
0x4b: {  	_ =	shalt  }
0x4c: {  	_ =	shalt  }
0x4d: {  	_ =	shalt  }
0x4e: {  	_ =	shalt  }
0x4f: {  	_ =	shalt  }
0x50: {  	_ =	shalt  }
0x51: {  	_ =	shalt  }
0x52: {  	_ =	shalt  }
0x53: {  	_ =	shalt  }
0x54: {  	_ =	shalt  }
0x55: {  	_ =	shalt  }
0x56: {  	_ =	shalt  }
0x57: {  	_ =	shalt  }
0x58: {  	_ =	shalt  }
0x59: {  	_ =	shalt  }
0x5a: {  	_ =	shalt  }
0x5b: {  	_ =	shalt  }
0x5c: {  	_ =	shalt  }
0x5d: {  	_ =	shalt  }
0x5e: {  	_ =	shalt  }
0x5f: {  	_ =	shalt  }
0x60: {  	_ =	shalt  }
0x61: {  	_ =	shalt  }
0x62: {  	_ =	shalt  }
0x63: {  	_ =	shalt  }
0x64: {  	_ =	shalt  }
0x65: {  	_ =	shalt  }
0x66: {  	_ =	shalt  }
0x67: {  	_ =	shalt  }
0x68: {  	_ =	shalt  }
0x69: {  	_ =	shalt  }
0x6a: {  	_ =	shalt  }
0x6b: {  	_ =	shalt  }
0x6c: {  	_ =	shalt  }
0x6d: {  	_ =	shalt  }
0x6e: {  	_ =	shalt  }
0x6f: {  	_ =	shalt  }
0x70: {  	_ =	shalt  }
0x71: {  	_ =	shalt  }
0x72: {  	_ =	shalt  }
0x73: {  	_ =	shalt  }
0x74: {  	_ =	shalt  }
0x75: {  	_ =	shalt  }
0x76: {  	_ =	shalt  }
0x77: {  	_ =	shalt  }
0x78: {  	_ =	shalt  }
0x79: {  	_ =	shalt  }
0x7a: {  	_ =	shalt  }
0x7b: {  	_ =	shalt  }
0x7c: {  	_ =	shalt  }
0x7d: {  	_ =	shalt  }
0x7e: {  	_ =	shalt  }
0x7f: {  	_ =	shalt  }
0x80: {  	_ =	shalt  }
0x81: {  	_ =	shalt  }
0x82: {  	_ =	shalt  }
0x83: {  	_ =	shalt  }
0x84: {  	_ =	shalt  }
0x85: {  	_ =	shalt  }
0x86: {  	_ =	shalt  }
0x87: {  	_ =	shalt  }
.Lfunc_end0:
.L_simem_size_0:
called_computation.2_lowered:
.L_overlay_start_0:
0x88: {  	s2 =	sld [smem:$0x3FD9]  }
0x89: {  	s3 =	sld [smem:$0x3FFE];
	_ =	sdelay $0x1  }
0x8a: {  	s1 =	srdreg.scid  }
0x8b: {  	s0 =	sand.u32 $0x1, s1  }
0x8c: {  	s17 =	sshll.u32 s0, $0xA;
	s2 =	sadd.s32 s3, s2  }
0x8d: {  	s2 =	sadd.s32 s2, s17  }
0x8e: {  	[smem:$0x3FC2] =	sst s2  }
0x8f: {  	_ = 	snop  }
0x90: {  	s2 =	sld [smem:$0x3FD0];
	(tm) =	ssettm $0x1  }
0x91: {  	s18 =	sld [smem:$0x3FFB];
	_ =	sdelay $0x3  }
0x92: {  	_ =	strace s18  }
0x93: {  	s3 =	sld [smem:$0x3FFC];
	_ =	sdelay $0x3  }
0x94: {  	_ =	strace s3  }
0x95: {  	s3 =	sld [smem:$0x3FFD];
	_ =	sdelay $0x3  }
0x96: {  	_ =	strace s3  }
0x97: {  	_ =	strace $0x8FFFFFFF  }
0x98: {  	s19 =	sld [smem:$0x3FDB];
	_ =	sdelay $0x1  }
0x99: {  	s4 =	simm.s32 $_scs_section_size  }
0x9a: {  	s5 =	simm.s32 $_size__tile_overlayer_lowered;
	s6 =	simm.s32 $_tile_overlayer_lowered  }
0x9b: {  	s22 =	simm.s32 $0x1BFF;
	s21 =	sshll.u32 s6, $0x1;
	s3 =	sadd.s32 s4, s19  }
0x9c: {  	s7 =	simm.s32 $0x0;
	s20 =	sshll.u32 s5, $0x1;
	s5 =	sadd.s32 s21, s3  }
0x9d: {  	[timem:s7], [sflag:s22] =	dma.local [hbm:s5], s20  }
0x9e: {  	_ =	swait.ge [sflag:s22], s20  }
0x9f: {  	s4 =	ssub.s32 $0x0, s20;
	[sflag:s22] =	ssyncset.done $0x0  }
0xa0: {  	[sflag:s22] =	ssyncadd.s32 s4;
	_ =	sdelay $0x1  }
0xa1: {  	s23 =	simm.s32 $0x1B8B  }
0xa2: {  	_ =	swait.ge [sflag:s23], $0x1  }
0xa3: {  	[sflag:s23] =	ssyncset.done $0x0  }
0xa4: {  	s25 =	simm.s32 $0x1B8E;
	s24 =	sld [smem:$0x3FFE];
	[sflag:s23] =	ssyncadd.s32 $0xFFFFFFFF  }
0xa5: {  	s26 =	simm.s32 $execute0_lowered;
	[smem:$0x3FD2] =	sst s25  }
0xa6: {  	s5 =	sshll.u32 s26, $0x1;
	_ =	strace $0x8000004C;
	[dreg:$0x1] =	wrdreg $0xFFFFFFFF  }
0xa7: {  	s28 =	simm.s32 $_size_execute0_lowered;
	s3 =	sadd.s32 s3, s5;
	[dreg:$0x0] =	wrdreg $0x0  }
0xa8: {  	s5 =	sshll.u32 s28, $0x1;
	[dreg:$0x2] =	wrdreg s3  }
0xa9: {  	[dreg:$0x3] =	wrdreg s5  }
0xaa: {  	[dreg:$0x4] =	wrdreg $0xC0  }
0xab: {  	_ =	task [dreg:s7], $0x5FFFF  }
0xac: {  	[dreg:$0x1] =	wrdreg $0xFFFFFFFF  }
0xad: {  	[dreg:$0x0] =	wrdreg $0x60  }
0xae: {  	[dreg:$0x2] =	wrdreg s2  }
0xaf: {  	[dreg:$0x3] =	wrdreg s24  }
0xb0: {  	[dreg:$0x4] =	wrdreg $0x69000  }
0xb1: {  	[dreg:$0x5] =	wrdreg $0x9  }
0xb2: {  	_ =	task.clear_ibuf [dreg:s7], $0x6FFFF;
	_ =	strace $0x9000004C  }
0xb3: {  	s29 =	simm.s32 $0x9;
	_ =	strace $0x8000004E  }
0xb4: {  	_ =	swait.ge [sflag:s29], $0x1  }
0xb5: {  	[sflag:s29] =	ssyncadd.s32 $0xFFFFFFFF  }
0xb6: {  	_ =	strace $0x9000004E  }
0xb7: {  	_ =	sfence  }
0xb8: {  	s30 =	sld [smem:$0x0];
	_ =	sdelay $0x2  }
0xb9: {  	s31 =	sshll.u32 s1, $0xD;
	s1 =	sshrl.u32 s1, $0x2  }
0xba: {  	s3 =	sand.u32 $0x4000, s31;
	s1 =	sadd.s32 s1, s30  }
0xbb: {  	s0 =	sor.u32 s3, s0;
	s1 =	sshll.u32 s1, $0x11  }
0xbc: {  	s0 =	sor.u32 s1, s0  }
0xbd: {  	s0 =	sadd.s32 $0x8F2B, s0  }
0xbe: {  	[sflag:s0] =	ssyncadd.remote.s32 $0x1  }
0xbf: {  	_ =	sfence.sel $0xFFFF  }
0xc0: {  	[dreg:$0x0] =	wrdreg $0xFFFFFFFF;
	(pc) =	sbr.abs _section_cstart, $3  }
0xc1: {  	[dreg:$0x1] =	wrdreg $0xFFFFFFFF  }
0xc2: {  	_ =	task.clear_ibuf [dreg:s7], $0x2FFFF;
	_ =	strace $0x9FFFFFFF  }
0xc3: {  	(tm) =	ssettm $0x7FFFFFFF  }
tec
execute0_lowered:
.L_overlay_start_1:
0x0: {  	(tag) =	ssettag $0x1  }
0x1: {  	s1 =	rddreg [dreg:$0x0]  }
0x2: {  	s5 =	rddreg [dreg:$0x1]  }
0x3: {  	s7 =	rddreg [dreg:$0x2]  }
0x4: {  	s0 =	srdreg.scid;
	s2 =	rddreg [dreg:$0x3]  }
0x5: {  	s3 =	simm.s32 $0x0;
	s15 =	simm.s32 $0x1;
	s6 =	sand.u32 $0x1, s0  }
0x6: {  	s16 =	simm.s32 $0x2;
	s0 =	stileid.u32;
	s4 =	smul.u32 $0x28000, s6  }
0x7: {  	[smem:$0x7FF] =	sst s3;
	s8 =	sshll.u32 s6, $0x4;
	s9 =	smul.u32 $0x2800, s0  }
0x8: {  	_ =	strace $0x8000004D;
	s10 =	smul.u32 $0x13C00, s6;
	s6 =	ssub.s32 $0x2, s6  }
0x9: {  	s11 =	smul.u32 $0x9E00, s0;
	s12 =	sshll.u32 s0, $0x6;
	s8 =	sor.u32 s0, s8  }
0xa: {  	s31 =	sshrl.u32 s6, $0x1;
	s8 =	smul.u32 $0x500, s8;
	s4 =	sadd.s32 s9, s4  }
0xb: {  	s10 =	sadd.s32 s10, s5;
	s13 =	ssub.s32 s6, s31;
	s14 =	sadd.s32 s11, s7  }
0xc: {  	s18 =	sshrl.u32 s11, $0x3;
	s11 =	simm.s32 $0x80;
	s4 =	sshrl.u32 s4, $0x3  }
0xd: {  	s17 =	sadd.s32 $0x67000, s10;
	s7 =	smax.u32 s13, $0x1;
	s9 =	sshrl.u32 s14, $0x3  }
0xe: {  	s10 =	simm.s32 $0x3;
	s13 =	simm.s32 $0x4900;
	s14 =	simm.s32 $0x2800  }
0xf: {  	s8 =	sadd.s32 s8, s5;
	s30 =	sadd.s32 s4, s5;
	s4 =	sadd.s32 $0x65C00, s5  }
0x10: {  	s5 =	sor.u32 $0x1C03, s12;
	s12 =	simm.s32 $0x2900;
	s17 =	sadd.s32 s18, s17  }
0x11: {  	s18 =	simm.s32 $0x0;
	s6 =	sadd.s32 $0xCC00, s8;
	s8 =	sadd.s32 $0x2200, s30  }
.LBB2_1:
0x12: {  	[spmem:s9], [sflag:s5] =	dma.local [hbm:s4], $0x13C0  }
0x13: {  	_ =	swait.ge [sflag:s10], $0x13C0  }
0x14: {  	[sflag:s10] =	ssyncset.done $0x0  }
0x15: {  	[sflag:s10] =	ssyncadd.s32 $0xFFFFEC40  }
0x16: {  	[tilespmem:s3], [sflag:$0x3] =	stream.linear.gather [hbm4b:s6+s3], $0x2800, $0x38;
	[tilespmem:$0x10700] =	vst v63  }
0x17: {  	_ =	swait.ge [sflag:s10], $0x2800  }
0x18: {  	[sflag:s10] =	ssyncset.done $0x0  }
0x19: {  	[sflag:s10] =	ssyncadd.s32 $0xFFFFD800  }
0x1a: {  	s19 =	simm.s32 $0x0;
	[bflag:$0x0] =	sbarrier.arrive $0xFFFF  }
0x1b: {  	[tilespmem:s12], [sflag:$0x1] =	stream.indirect.gather [hbm4b:s1+s11], $0x40, s19, s11, $0xb8;
	[tilespmem:$0x10700] =	vst v63  }
0x1c: {  	_ = 	snop  }
0x1d: {  	[tilespmem:s13], [sflag:$0x2] =	stream.indirect.gather [hbm4b:s1+s11], $0x40, s11, s11, $0xb8;
	[tilespmem:$0x10700] =	vst v63  }
0x1e: {  	s31 =	sadd.s32 $0x0, s8  }
0x1f: {  	[tilespmem:s14], [sflag:$0x3] =	stream.linear.gather [hbm4b:s31+s3], $0x100, $0x38;
	[tilespmem:$0x10700] =	vst v63  }
0x20: {  	_ =	swait.ge [sflag:s10], $0x100  }
0x21: {  	[sflag:s10] =	ssyncset.done $0x0  }
0x22: {  	[sflag:s10] =	ssyncadd.s32 $0xFFFFFF00  }
0x23: {  	_ =	swait.ge [sflag:s15], $0x2000  }
0x24: {  	[sflag:s15] =	ssyncset.done $0x0  }
0x25: {  	[sflag:s15] =	ssyncadd.s32 $0xFFFFE000  }
0x26: {  	s21 =	simm.s32 $0x40;
	_ =	swait.ge [sflag:s16], $0x2000  }
0x27: {  	s20 =	simm.s32 $0x180;
	s19 =	simm.s32 $0x20;
	[sflag:s16] =	ssyncset.done $0x0  }
.LBB2_2:
0x28: {  	p0 =	sne.s32 s21, $0x4E0;
	s22 =	sadd.s32 $0xFFFFFF80, s20;
	[sflag:s16] =	ssyncadd.s32 $0xFFFFE000  }
0x29: {  	[tilespmem:s12], [sflag:$0x1] =	stream.indirect.gather [hbm4b:s1+s11], $0x40, s22, s11, $0xb8;
	[tilespmem:$0x10700] =	vst v63  }
0x2a: {  	s22 =	smov.u32 s21;
	s21 =	sadd.s32 $0x20, s21  }
0x2b: {  	[tilespmem:s13], [sflag:$0x2] =	stream.indirect.gather [hbm4b:s1+s11], $0x40, s20, s11, $0xb8;
	[tilespmem:$0x10700] =	vst v63  }
0x2c: {  	s23 =	sadd.s32 s19, s8;
	s19 =	smov.u32 s22  }
0x2d: {  	[tilespmem:s14], [sflag:$0x3] =	stream.linear.gather [hbm4b:s23+s3], $0x100, $0x38;
	[tilespmem:$0x10700] =	vst v63  }
0x2e: {  	_ =	swait.ge [sflag:s10], $0x100  }
0x2f: {  	[sflag:s10] =	ssyncset.done $0x0  }
0x30: {  	[sflag:s10] =	ssyncadd.s32 $0xFFFFFF00  }
.Ltmp0:
0x31: {  	_ =	swait.ge [sflag:s15], $0x2000;
	(pc) =	sbr.rel @p0 .LBB2_2-.Ltmp0, $4  }
0x32: {  	[sflag:s15] =	ssyncset.done $0x0  }
0x33: {  	[sflag:s15] =	ssyncadd.s32 $0xFFFFE000  }
0x34: {  	_ =	swait.ge [sflag:s16], $0x2000  }
0x35: {  	s20 =	sadd.s32 $0x100, s20;
	[sflag:s16] =	ssyncset.done $0x0  }
0x36: {  	s21 =	sadd.s32 $0xFFFFFF80, s20;
	[sflag:s16] =	ssyncadd.s32 $0xFFFFE000  }
0x37: {  	[tilespmem:s12], [sflag:$0x1] =	stream.indirect.gather [hbm4b:s1+s11], $0x40, s21, s11, $0xb8;
	[tilespmem:$0x10700] =	vst v63  }
0x38: {  	_ = 	snop  }
0x39: {  	[tilespmem:s13], [sflag:$0x2] =	stream.indirect.gather [hbm4b:s1+s11], $0x40, s20, s11, $0xb8;
	[tilespmem:$0x10700] =	vst v63  }
0x3a: {  	s19 =	sadd.s32 s19, s8  }
0x3b: {  	[tilespmem:s14], [sflag:$0x3] =	stream.linear.gather [hbm4b:s19+s3], $0x100, $0x38;
	[tilespmem:$0x10700] =	vst v63  }
0x3c: {  	_ =	swait.ge [sflag:s10], $0x100  }
0x3d: {  	[sflag:s10] =	ssyncset.done $0x0  }
0x3e: {  	[sflag:s10] =	ssyncadd.s32 $0xFFFFFF00  }
0x3f: {  	_ =	swait.ge [sflag:s15], $0x2000  }
0x40: {  	[sflag:s15] =	ssyncset.done $0x0  }
0x41: {  	[sflag:s15] =	ssyncadd.s32 $0xFFFFE000  }
0x42: {  	_ =	swait.ge [sflag:s16], $0x2000  }
0x43: {  	s18 =	sadd.s32 $0x1, s18;
	[sflag:s16] =	ssyncset.done $0x0  }
0x44: {  	p0 =	sne.s32 s18, s7;
	[sflag:s16] =	ssyncadd.s32 $0xFFFFE000  }
.Ltmp1:
0x45: {  	[bflag:$0x0] =	sbarrier.arrive $0xFFFF;
	(pc) =	sbr.rel @p0 .LBB2_1-.Ltmp1, $4  }
0x46: {  	[hbm:s17], [sflag:s5] =	dma.local [spmem:s9], $0x13C0  }
0x47: {  	_ =	swait.ge [sflag:s10], $0x13C0  }
0x48: {  	[sflag:s10] =	ssyncset.done $0x0  }
0x49: {  	[sflag:s10] =	ssyncadd.s32 $0xFFFFEC40  }
0x4a: {  	_ =	sfence.sel $0x180000  }
0x4b: {  	[bflag:$0x0] =	sbarrier.arrive $0xFFFF  }
0x4c: {  	p0 =	sne.s32 s0, $0x0;
	_ =	strace $0x9000004D  }
0x4d: {  	s0 =	sadd.s32 @!p0 $0x100000, s2;
	[bflag:$0x2] =	sbarrier.arrive $0xFFFF  }
0x4e: {  	[sflag:s0] =	ssyncadd.tile.s32 @!p0 $0x1;
	_ =	shalt  }
.Lfunc_end2:
_tile_overlayer_lowered:
.L_overlay_start_2:
0x4f: {  	(tag) =	ssettag $0x2  }
0x50: {  	s0 =	rddreg [dreg:$0x0];
	s2 =	stileid.u32  }
0x51: {  	s1 =	rddreg [dreg:$0x1];
	p0 =	sne.s32 s2, $0x0  }
0x52: {  	s3 =	rddreg [dreg:$0x2];
	[bflag:$0x3] =	sbarrier.arrive $0xFFFF;
	s2 =	simm.s32 @!p0 $0x1C03  }
0x53: {  	[timem:s3], [sflag:s2] =	dma.local @!p0 [hbm:s0], s1  }
0x54: {  	s0 =	simm.s32 @!p0 $0x3  }
0x55: {  	_ =	swait.ge @!p0 [sflag:s0], s1  }
0x56: {  	s1 =	ssub.s32 @!p0 $0x0, s1;
	[sflag:s0] =	ssyncset.done @!p0 $0x0  }
0x57: {  	[sflag:s0] =	ssyncadd.s32 @!p0 s1  }
0x58: {  	[bflag:$0x3] =	sbarrier.arrive $0xFFFF  }
0x59: {  	_ =	shalt  }

// kernel: kernel.9.cloned.1.call-start
scs
__scs_entry_jumppad:
0x0: {  	(pc) =	sbr.rel $0x88, $3  }
0x1: {  	(tag) =	ssettag $0x0;
	lr =	simm.s32 $0x1  }
0x2: {  	[smem:$0x3F9B] =	sst lr;
	_ =	strace $0xD0000000  }
0x3: {  	_ = 	snop  }
0x4: {  	_ = 	snop  }
0x5: {  	_ = 	snop  }
0x6: {  	_ = 	snop  }
0x7: {  	_ = 	snop  }
__scs_overlays_trampoline_lowered:
0x8: {  	[smem:$0x3FAA] =	sst s0  }
0x9: {  	[smem:$0x3FAB] =	sst s1  }
0xa: {  	[smem:$0x3FAC] =	sst s2  }
0xb: {  	[smem:$0x3FAD] =	sst s3  }
0xc: {  	[smem:$0x3FAE] =	sst s4  }
0xd: {  	[smem:$0x3FAF] =	sst s5  }
0xe: {  	[smem:$0x3FB0] =	sst s6  }
0xf: {  	[smem:$0x3FB1] =	sst s7  }
0x10: {  	[smem:$0x3FB2] =	sst s8  }
0x11: {  	[smem:$0x3FB3] =	sst s9;
	s0 =	simm.s32 @!p0 $0x0  }
0x12: {  	s1 =	sld [smem:$0x3F99];
	s0 =	simm.s32 @p0 $0x1  }
0x13: {  	[smem:$0x3FB4] =	sst s0;
	s0 =	simm.s32 @!p1 $0x0  }
0x14: {  	s2 =	sld [smem:$0x3F98];
	s0 =	simm.s32 @p1 $0x1  }
0x15: {  	[smem:$0x3FB5] =	sst s0;
	s0 =	simm.s32 @!p2 $0x0  }
0x16: {  	s3 =	sld [smem:$0x3FDB];
	s0 =	simm.s32 @p2 $0x1  }
0x17: {  	s4 =	simm.s32 $0x1BF5;
	[smem:$0x3FB7] =	sst s0  }
0x18: {  	s0 =	sld [smem:$0x3F9A];
	_ =	swait.ge [sflag:s4], $0x0  }
0x19: {  	s7 =	sld [smem:$0x3F9B]  }
0x1a: {  	s8 =	sadd.s32 $0xFFFFE003, lr  }
0x1b: {  	s9 =	sadd.s32 $0xFFFFFEF7, lr;
	s5 =	simm.s32 $0xFFFFFFFF;
	p2 =	slt.u32 s8, $0xFFFFF086  }
0x1c: {  	p1 =	slt.u32 s9, $0xF7A;
	s5 =	simm.s32 @!p2 $0x0  }
0x1d: {  	s5 =	simm.s32 @p1 $0x1;
	p0 =	seq.s32 s7, s2  }
0x1e: {  	s7 =	smul.u32 @!p0 $0xF7A, s2;
	p2 =	seq.s32 @!p0 s5, $0x0  }
0x1f: {  	s9 =	smul.u32 $0xF7A, s1;
	s8 =	simm.s32 @!p0 $0x1BF5;
	p2 =	por !p2, p0  }
0x20: {  	[sflag:s8] =	ssyncset.s32 @!p0 $0xFFFFF086;
	s6 =	sadd.s32 @!p0 s3, s7;
	s7 =	simm.s32 @!p0 $0x108  }
0x21: {  	s3 =	sadd.s32 s3, s9;
	s6 =	sadd.s32 @!p0 $0x88, s6;
	s7 =	simm.s32 @p2 $0x1082  }
0x22: {  	[simem:s7], [sflag:s8] =	dma.local @!p0 [hbm:s6], $0xF7A  }
0x23: {  	s9 =	sor.u32 $0xD0000000, s2;
	s6 =	simm.s32 $0x108;
	_ =	swait.ge @!p0 [sflag:s8], $0x0  }
0x24: {  	s3 =	sadd.s32 $0x88, s3;
	s6 =	simm.s32 @!p1 $0x1082;
	[sflag:s4] =	ssyncset.s32 $0xFFFFF086  }
0x25: {  	[simem:s6], [sflag:s4] =	dma.local [hbm:s3], $0xF7A  }
0x26: {  	[smem:$0x3F9B] =	sst s1;
	(tag) =	ssettag s2;
	_ =	strace s9  }
0x27: {  	s1 =	sld [smem:$0x3FAB]  }
0x28: {  	s2 =	sld [smem:$0x3FAC]  }
0x29: {  	s4 =	sld [smem:$0x3FAE]  }
0x2a: {  	p0 =	seq.s32 s5, $0x0;
	s5 =	sld [smem:$0x3FAF]  }
0x2b: {  	s6 =	sld [smem:$0x3FB0]  }
0x2c: {  	s7 =	sld [smem:$0x3FB1]  }
0x2d: {  	s3 =	simm.s32 $0x108;
	s8 =	sld [smem:$0x3FB2]  }
0x2e: {  	s3 =	simm.s32 @!p0 $0x1082;
	s9 =	sld [smem:$0x3FB3]  }
0x2f: {  	lr =	sadd.s32 s0, s3;
	s0 =	sld [smem:$0x3FAA]  }
0x30: {  	s3 =	sld [smem:$0x3FAD]  }
0x31: {  	[smem:$0x3FB6] =	sst s10  }
0x32: {  	s10 =	sld [smem:$0x3FB4];
	_ =	sdelay $0x3  }
0x33: {  	p0 =	seq.s32 s10, $0x1;
	s10 =	sld [smem:$0x3FB6];
	_ =	sdelay $0x3  }
0x34: {  	[smem:$0x3FB6] =	sst s10  }
0x35: {  	s10 =	sld [smem:$0x3FB5];
	_ =	sdelay $0x3  }
0x36: {  	p1 =	seq.s32 s10, $0x1;
	s10 =	sld [smem:$0x3FB6];
	_ =	sdelay $0x3  }
0x37: {  	[smem:$0x3FB6] =	sst s10  }
0x38: {  	s10 =	sld [smem:$0x3FB7]  }
0x39: {  	_ = 	snop;
	(pc) =	sbr.ind lr, $3  }
0x3a: {  	_ = 	snop  }
0x3b: {  	_ = 	snop  }
0x3c: {  	p2 =	seq.s32 s10, $0x1;
	s10 =	sld [smem:$0x3FB6]  }
0x3d: {  	_ =	shalt  }
0x3e: {  	_ =	shalt  }
0x3f: {  	_ =	shalt  }
0x40: {  	_ =	shalt  }
0x41: {  	_ =	shalt  }
0x42: {  	_ =	shalt  }
0x43: {  	_ =	shalt  }
0x44: {  	_ =	shalt  }
0x45: {  	_ =	shalt  }
0x46: {  	_ =	shalt  }
0x47: {  	_ =	shalt  }
0x48: {  	_ =	shalt  }
0x49: {  	_ =	shalt  }
0x4a: {  	_ =	shalt  }
0x4b: {  	_ =	shalt  }
0x4c: {  	_ =	shalt  }
0x4d: {  	_ =	shalt  }
0x4e: {  	_ =	shalt  }
0x4f: {  	_ =	shalt  }
0x50: {  	_ =	shalt  }
0x51: {  	_ =	shalt  }
0x52: {  	_ =	shalt  }
0x53: {  	_ =	shalt  }
0x54: {  	_ =	shalt  }
0x55: {  	_ =	shalt  }
0x56: {  	_ =	shalt  }
0x57: {  	_ =	shalt  }
0x58: {  	_ =	shalt  }
0x59: {  	_ =	shalt  }
0x5a: {  	_ =	shalt  }
0x5b: {  	_ =	shalt  }
0x5c: {  	_ =	shalt  }
0x5d: {  	_ =	shalt  }
0x5e: {  	_ =	shalt  }
0x5f: {  	_ =	shalt  }
0x60: {  	_ =	shalt  }
0x61: {  	_ =	shalt  }
0x62: {  	_ =	shalt  }
0x63: {  	_ =	shalt  }
0x64: {  	_ =	shalt  }
0x65: {  	_ =	shalt  }
0x66: {  	_ =	shalt  }
0x67: {  	_ =	shalt  }
0x68: {  	_ =	shalt  }
0x69: {  	_ =	shalt  }
0x6a: {  	_ =	shalt  }
0x6b: {  	_ =	shalt  }
0x6c: {  	_ =	shalt  }
0x6d: {  	_ =	shalt  }
0x6e: {  	_ =	shalt  }
0x6f: {  	_ =	shalt  }
0x70: {  	_ =	shalt  }
0x71: {  	_ =	shalt  }
0x72: {  	_ =	shalt  }
0x73: {  	_ =	shalt  }
0x74: {  	_ =	shalt  }
0x75: {  	_ =	shalt  }
0x76: {  	_ =	shalt  }
0x77: {  	_ =	shalt  }
0x78: {  	_ =	shalt  }
0x79: {  	_ =	shalt  }
0x7a: {  	_ =	shalt  }
0x7b: {  	_ =	shalt  }
0x7c: {  	_ =	shalt  }
0x7d: {  	_ =	shalt  }
0x7e: {  	_ =	shalt  }
0x7f: {  	_ =	shalt  }
0x80: {  	_ =	shalt  }
0x81: {  	_ =	shalt  }
0x82: {  	_ =	shalt  }
0x83: {  	_ =	shalt  }
0x84: {  	_ =	shalt  }
0x85: {  	_ =	shalt  }
0x86: {  	_ =	shalt  }
0x87: {  	_ =	shalt  }
.Lfunc_end0:
.L_simem_size_0:
called_computation_lowered:
.L_overlay_start_0:
0x88: {  	s2 =	sld [smem:$0x3FD9]  }
0x89: {  	s3 =	sld [smem:$0x3FFE];
	_ =	sdelay $0x1  }
0x8a: {  	s1 =	srdreg.scid  }
0x8b: {  	s0 =	sand.u32 $0x1, s1  }
0x8c: {  	s17 =	sshll.u32 s0, $0xA;
	s2 =	sadd.s32 s3, s2  }
0x8d: {  	s2 =	sadd.s32 s2, s17  }
0x8e: {  	[smem:$0x3FC2] =	sst s2  }
0x8f: {  	_ = 	snop  }
0x90: {  	s2 =	sld [smem:$0x3FD0];
	(tm) =	ssettm $0x1  }
0x91: {  	s18 =	sld [smem:$0x3FFB];
	_ =	sdelay $0x3  }
0x92: {  	_ =	strace s18  }
0x93: {  	s3 =	sld [smem:$0x3FFC];
	_ =	sdelay $0x3  }
0x94: {  	_ =	strace s3  }
0x95: {  	s3 =	sld [smem:$0x3FFD];
	_ =	sdelay $0x3  }
0x96: {  	_ =	strace s3  }
0x97: {  	_ =	strace $0x8FFFFFFF  }
0x98: {  	s19 =	sld [smem:$0x3FDB];
	_ =	sdelay $0x1  }
0x99: {  	s4 =	simm.s32 $_scs_section_size  }
0x9a: {  	s5 =	simm.s32 $_size__tile_overlayer_lowered;
	s6 =	simm.s32 $_tile_overlayer_lowered  }
0x9b: {  	s22 =	simm.s32 $0x1BFF;
	s21 =	sshll.u32 s6, $0x1;
	s3 =	sadd.s32 s4, s19  }
0x9c: {  	s7 =	simm.s32 $0x0;
	s20 =	sshll.u32 s5, $0x1;
	s5 =	sadd.s32 s21, s3  }
0x9d: {  	[timem:s7], [sflag:s22] =	dma.local [hbm:s5], s20  }
0x9e: {  	_ =	swait.ge [sflag:s22], s20  }
0x9f: {  	s4 =	ssub.s32 $0x0, s20;
	[sflag:s22] =	ssyncset.done $0x0  }
0xa0: {  	[sflag:s22] =	ssyncadd.s32 s4;
	_ =	sdelay $0x1  }
0xa1: {  	s23 =	simm.s32 $0x1B8B  }
0xa2: {  	_ =	swait.ge [sflag:s23], $0x1  }
0xa3: {  	[sflag:s23] =	ssyncset.done $0x0  }
0xa4: {  	s25 =	simm.s32 $0x1B8E;
	s24 =	sld [smem:$0x3FFE];
	[sflag:s23] =	ssyncadd.s32 $0xFFFFFFFF  }
0xa5: {  	s26 =	simm.s32 $execute0_lowered;
	[smem:$0x3FD2] =	sst s25  }
0xa6: {  	s5 =	sshll.u32 s26, $0x1;
	_ =	strace $0x80000046;
	[dreg:$0x1] =	wrdreg $0xFFFFFFFF  }
0xa7: {  	s28 =	simm.s32 $_size_execute0_lowered;
	s3 =	sadd.s32 s3, s5;
	[dreg:$0x0] =	wrdreg $0x0  }
0xa8: {  	s5 =	sshll.u32 s28, $0x1;
	[dreg:$0x2] =	wrdreg s3  }
0xa9: {  	[dreg:$0x3] =	wrdreg s5  }
0xaa: {  	[dreg:$0x4] =	wrdreg $0xC0  }
0xab: {  	_ =	task [dreg:s7], $0x5FFFF  }
0xac: {  	[dreg:$0x1] =	wrdreg $0xFFFFFFFF  }
0xad: {  	[dreg:$0x0] =	wrdreg $0x60  }
0xae: {  	[dreg:$0x2] =	wrdreg s24  }
0xaf: {  	[dreg:$0x3] =	wrdreg s2  }
0xb0: {  	[dreg:$0x4] =	wrdreg $0x30000  }
0xb1: {  	[dreg:$0x5] =	wrdreg $0x9  }
0xb2: {  	_ =	task.clear_ibuf [dreg:s7], $0x6FFFF;
	_ =	strace $0x90000046  }
0xb3: {  	s29 =	simm.s32 $0x9;
	_ =	strace $0x80000048  }
0xb4: {  	_ =	swait.ge [sflag:s29], $0x1  }
0xb5: {  	[sflag:s29] =	ssyncadd.s32 $0xFFFFFFFF  }
0xb6: {  	_ =	strace $0x90000048  }
0xb7: {  	_ =	sfence  }
0xb8: {  	s30 =	sld [smem:$0x0];
	_ =	sdelay $0x2  }
0xb9: {  	s31 =	sshll.u32 s1, $0xD;
	s1 =	sshrl.u32 s1, $0x2  }
0xba: {  	s3 =	sand.u32 $0x4000, s31;
	s1 =	sadd.s32 s1, s30  }
0xbb: {  	s0 =	sor.u32 s3, s0;
	s1 =	sshll.u32 s1, $0x11  }
0xbc: {  	s0 =	sor.u32 s1, s0  }
0xbd: {  	s0 =	sadd.s32 $0x8F2B, s0  }
0xbe: {  	[sflag:s0] =	ssyncadd.remote.s32 $0x1  }
0xbf: {  	_ =	sfence.sel $0xFFFF  }
0xc0: {  	[dreg:$0x0] =	wrdreg $0xFFFFFFFF;
	(pc) =	sbr.abs _section_cstart, $3  }
0xc1: {  	[dreg:$0x1] =	wrdreg $0xFFFFFFFF  }
0xc2: {  	_ =	task.clear_ibuf [dreg:s7], $0x2FFFF;
	_ =	strace $0x9FFFFFFF  }
0xc3: {  	(tm) =	ssettm $0x7FFFFFFF  }
tec
execute0_lowered:
.L_overlay_start_1:
0x0: {  	(tag) =	ssettag $0x1  }
0x1: {  	s5 =	rddreg [dreg:$0x0]  }
0x2: {  	s8 =	rddreg [dreg:$0x1]  }
0x3: {  	s0 =	srdreg.scid;
	s2 =	rddreg [dreg:$0x2];
	s3 =	simm.s32 $0x0  }
0x4: {  	s13 =	simm.s32 $0x1;
	s6 =	sand.u32 $0x1, s0;
	s0 =	stileid.u32  }
0x5: {  	[smem:$0x7FF] =	sst s3;
	s1 =	sshll.u32 s6, $0x4;
	s10 =	smul.u32 $0x2780, s0  }
0x6: {  	s9 =	ssub.s32 $0x2, s6;
	s12 =	smul.u32 $0x4F00, s6;
	s31 =	sshll.u32 s0, $0x6  }
0x7: {  	s4 =	sor.u32 s0, s1;
	s1 =	rddreg [dreg:$0x3];
	_ =	strace $0x80000047  }
0x8: {  	s11 =	sshrl.u32 s9, $0x1;
	s6 =	sor.u32 $0x1C02, s31;
	s4 =	smul.u32 $0x500, s4  }
0x9: {  	s9 =	ssub.s32 s9, s11;
	s30 =	sadd.s32 s10, s2;
	s14 =	sadd.s32 s8, s12  }
0xa: {  	s15 =	sshrl.u32 s10, $0x3;
	s10 =	simm.s32 $0x2;
	s11 =	simm.s32 $0x2800  }
0xb: {  	s12 =	simm.s32 $0x80;
	s8 =	smax.u32 s9, $0x1;
	s9 =	sshrl.u32 s30, $0x3  }
0xc: {  	s14 =	sadd.s32 s15, s14;
	s15 =	simm.s32 $0x0;
	s7 =	sadd.s32 s4, s5  }
0xd: {  	s4 =	sadd.s32 $0xCA00, s5;
	s5 =	sadd.s32 $0xC400, s5;
	s7 =	sadd.s32 $0x2200, s7  }
.LBB2_1:
0xe: {  	[spmem:s9], [sflag:s6] =	dma.local [hbm:s5], $0x4F0  }
0xf: {  	_ =	swait.ge [sflag:s10], $0x4F0  }
0x10: {  	[sflag:s10] =	ssyncset.done $0x0  }
0x11: {  	[sflag:s10] =	ssyncadd.s32 $0xFFFFFB10  }
0x12: {  	[tilespmem:s11], [sflag:$0x2] =	stream.linear.gather [hbm4b:s4+s3], $0x800, $0x38;
	[tilespmem:$0x5780] =	vst v63  }
0x13: {  	_ =	swait.ge [sflag:s10], $0x800  }
0x14: {  	[sflag:s10] =	ssyncset.done $0x0  }
0x15: {  	[sflag:s10] =	ssyncadd.s32 $0xFFFFF800  }
0x16: {  	[tilespmem:s3], [sflag:$0x2] =	stream.linear.gather [hbm4b:s7+s3], $0x2800, $0x38;
	[tilespmem:$0x5780] =	vst v63  }
0x17: {  	_ =	swait.ge [sflag:s10], $0x2800  }
0x18: {  	[sflag:s10] =	ssyncset.done $0x0  }
0x19: {  	[sflag:s10] =	ssyncadd.s32 $0xFFFFD800  }
0x1a: {  	s16 =	simm.s32 $0x0;
	[bflag:$0x0] =	sbarrier.arrive $0xFFFF  }
0x1b: {  	[spmem:s2] =	stream.indirect.scatter.add.f32 [tilespmem:s11], [sflag:$0x1], $0x10, s16, s12, $0xb8;
	[tilespmem:$0x5780] =	vst v63  }
0x1c: {  	s31 =	simm.s32 $0x80  }
0x1d: {  	[spmem:s2] =	stream.indirect.scatter.add.f32 [tilespmem:s11], [sflag:$0x1], $0x10, s31, s12, $0xb8;
	[tilespmem:$0x5780] =	vst v63  }
0x1e: {  	s17 =	simm.s32 $0x100  }
0x1f: {  	[spmem:s2] =	stream.indirect.scatter.add.f32 [tilespmem:s11], [sflag:$0x1], $0x10, s17, s12, $0xb8;
	[tilespmem:$0x5780] =	vst v63  }
0x20: {  	s18 =	simm.s32 $0x180  }
0x21: {  	[spmem:s2] =	stream.indirect.scatter.add.f32 [tilespmem:s11], [sflag:$0x1], $0x10, s18, s12, $0xb8;
	[tilespmem:$0x5780] =	vst v63  }
0x22: {  	s19 =	simm.s32 $0x200  }
0x23: {  	[spmem:s2] =	stream.indirect.scatter.add.f32 [tilespmem:s11], [sflag:$0x1], $0x10, s19, s12, $0xb8;
	[tilespmem:$0x5780] =	vst v63  }
0x24: {  	s20 =	simm.s32 $0x280  }
0x25: {  	[spmem:s2] =	stream.indirect.scatter.add.f32 [tilespmem:s11], [sflag:$0x1], $0x10, s20, s12, $0xb8;
	[tilespmem:$0x5780] =	vst v63  }
0x26: {  	s21 =	simm.s32 $0x300  }
0x27: {  	[spmem:s2] =	stream.indirect.scatter.add.f32 [tilespmem:s11], [sflag:$0x1], $0x10, s21, s12, $0xb8;
	[tilespmem:$0x5780] =	vst v63  }
0x28: {  	s22 =	simm.s32 $0x380  }
0x29: {  	[spmem:s2] =	stream.indirect.scatter.add.f32 [tilespmem:s11], [sflag:$0x1], $0x10, s22, s12, $0xb8;
	[tilespmem:$0x5780] =	vst v63  }
0x2a: {  	s23 =	simm.s32 $0x400  }
0x2b: {  	[spmem:s2] =	stream.indirect.scatter.add.f32 [tilespmem:s11], [sflag:$0x1], $0x10, s23, s12, $0xb8;
	[tilespmem:$0x5780] =	vst v63  }
0x2c: {  	s24 =	simm.s32 $0x480  }
0x2d: {  	[spmem:s2] =	stream.indirect.scatter.add.f32 [tilespmem:s11], [sflag:$0x1], $0x10, s24, s12, $0xb8;
	[tilespmem:$0x5780] =	vst v63  }
0x2e: {  	s25 =	simm.s32 $0x500  }
0x2f: {  	[spmem:s2] =	stream.indirect.scatter.add.f32 [tilespmem:s11], [sflag:$0x1], $0x10, s25, s12, $0xb8;
	[tilespmem:$0x5780] =	vst v63  }
0x30: {  	s26 =	simm.s32 $0x580  }
0x31: {  	[spmem:s2] =	stream.indirect.scatter.add.f32 [tilespmem:s11], [sflag:$0x1], $0x10, s26, s12, $0xb8;
	[tilespmem:$0x5780] =	vst v63  }
0x32: {  	s28 =	simm.s32 $0x600  }
0x33: {  	[spmem:s2] =	stream.indirect.scatter.add.f32 [tilespmem:s11], [sflag:$0x1], $0x10, s28, s12, $0xb8;
	[tilespmem:$0x5780] =	vst v63  }
0x34: {  	s29 =	simm.s32 $0x680  }
0x35: {  	[spmem:s2] =	stream.indirect.scatter.add.f32 [tilespmem:s11], [sflag:$0x1], $0x10, s29, s12, $0xb8;
	[tilespmem:$0x5780] =	vst v63  }
0x36: {  	s30 =	simm.s32 $0x700  }
0x37: {  	[spmem:s2] =	stream.indirect.scatter.add.f32 [tilespmem:s11], [sflag:$0x1], $0x10, s30, s12, $0xb8;
	[tilespmem:$0x5780] =	vst v63  }
0x38: {  	s31 =	simm.s32 $0x780  }
0x39: {  	[spmem:s2] =	stream.indirect.scatter.add.f32 [tilespmem:s11], [sflag:$0x1], $0x10, s31, s12, $0xb8;
	[tilespmem:$0x5780] =	vst v63  }
0x3a: {  	_ =	swait.ge [sflag:s13], $0x800  }
0x3b: {  	[sflag:s13] =	ssyncset.done $0x0  }
0x3c: {  	[sflag:s13] =	ssyncadd.s32 $0xFFFFF800  }
0x3d: {  	_ =	swait.ge [sflag:s13], $0x800  }
0x3e: {  	[sflag:s13] =	ssyncset.done $0x0  }
0x3f: {  	[sflag:s13] =	ssyncadd.s32 $0xFFFFF800  }
0x40: {  	_ =	swait.ge [sflag:s13], $0x800  }
0x41: {  	[sflag:s13] =	ssyncset.done $0x0  }
0x42: {  	[sflag:s13] =	ssyncadd.s32 $0xFFFFF800  }
0x43: {  	_ =	swait.ge [sflag:s13], $0x800  }
0x44: {  	[sflag:s13] =	ssyncset.done $0x0  }
0x45: {  	[sflag:s13] =	ssyncadd.s32 $0xFFFFF800  }
0x46: {  	_ =	swait.ge [sflag:s13], $0x800  }
0x47: {  	[sflag:s13] =	ssyncset.done $0x0  }
0x48: {  	[sflag:s13] =	ssyncadd.s32 $0xFFFFF800  }
0x49: {  	_ =	swait.ge [sflag:s13], $0x800  }
0x4a: {  	[sflag:s13] =	ssyncset.done $0x0  }
0x4b: {  	[sflag:s13] =	ssyncadd.s32 $0xFFFFF800  }
0x4c: {  	_ =	swait.ge [sflag:s13], $0x800  }
0x4d: {  	[sflag:s13] =	ssyncset.done $0x0  }
0x4e: {  	[sflag:s13] =	ssyncadd.s32 $0xFFFFF800  }
0x4f: {  	_ =	swait.ge [sflag:s13], $0x800  }
0x50: {  	[sflag:s13] =	ssyncset.done $0x0  }
0x51: {  	[sflag:s13] =	ssyncadd.s32 $0xFFFFF800  }
0x52: {  	_ =	swait.ge [sflag:s13], $0x800  }
0x53: {  	[sflag:s13] =	ssyncset.done $0x0  }
0x54: {  	[sflag:s13] =	ssyncadd.s32 $0xFFFFF800  }
0x55: {  	_ =	swait.ge [sflag:s13], $0x800  }
0x56: {  	[sflag:s13] =	ssyncset.done $0x0  }
0x57: {  	[sflag:s13] =	ssyncadd.s32 $0xFFFFF800  }
0x58: {  	_ =	swait.ge [sflag:s13], $0x800  }
0x59: {  	[sflag:s13] =	ssyncset.done $0x0  }
0x5a: {  	[sflag:s13] =	ssyncadd.s32 $0xFFFFF800  }
0x5b: {  	_ =	swait.ge [sflag:s13], $0x800  }
0x5c: {  	[sflag:s13] =	ssyncset.done $0x0  }
0x5d: {  	[sflag:s13] =	ssyncadd.s32 $0xFFFFF800  }
0x5e: {  	_ =	swait.ge [sflag:s13], $0x800  }
0x5f: {  	[sflag:s13] =	ssyncset.done $0x0  }
0x60: {  	[sflag:s13] =	ssyncadd.s32 $0xFFFFF800  }
0x61: {  	_ =	swait.ge [sflag:s13], $0x800  }
0x62: {  	[sflag:s13] =	ssyncset.done $0x0  }
0x63: {  	[sflag:s13] =	ssyncadd.s32 $0xFFFFF800  }
0x64: {  	_ =	swait.ge [sflag:s13], $0x800  }
0x65: {  	[sflag:s13] =	ssyncset.done $0x0  }
0x66: {  	[sflag:s13] =	ssyncadd.s32 $0xFFFFF800  }
0x67: {  	_ =	swait.ge [sflag:s13], $0x800  }
0x68: {  	s16 =	simm.s32 $0x2000;
	s19 =	simm.s32 $0x4000;
	[sflag:s13] =	ssyncset.done $0x0  }
.LBB2_2:
0x69: {  	s18 =	sshra.s32 s16, $0x2  }
0x6a: {  	[sflag:s13] =	ssyncadd.s32 $0xFFFFF800;
	s16 =	smov.u32 s19;
	s17 =	sadd.s32 $0x2000, s19  }
0x6b: {  	[spmem:s2] =	stream.indirect.scatter.add.f32 [tilespmem:s11], [sflag:$0x1], $0x10, s18, s12, $0xb8;
	[tilespmem:$0x5780] =	vst v63  }
0x6c: {  	p0 =	sne.s32 s19, $0x8000;
	s19 =	sadd.s32 $0x80, s18  }
0x6d: {  	[spmem:s2] =	stream.indirect.scatter.add.f32 [tilespmem:s11], [sflag:$0x1], $0x10, s19, s12, $0xb8;
	[tilespmem:$0x5780] =	vst v63  }
0x6e: {  	s19 =	sadd.s32 $0x100, s18  }
0x6f: {  	[spmem:s2] =	stream.indirect.scatter.add.f32 [tilespmem:s11], [sflag:$0x1], $0x10, s19, s12, $0xb8;
	[tilespmem:$0x5780] =	vst v63  }
0x70: {  	s19 =	sadd.s32 $0x180, s18  }
0x71: {  	[spmem:s2] =	stream.indirect.scatter.add.f32 [tilespmem:s11], [sflag:$0x1], $0x10, s19, s12, $0xb8;
	[tilespmem:$0x5780] =	vst v63  }
0x72: {  	s19 =	sadd.s32 $0x200, s18  }
0x73: {  	[spmem:s2] =	stream.indirect.scatter.add.f32 [tilespmem:s11], [sflag:$0x1], $0x10, s19, s12, $0xb8;
	[tilespmem:$0x5780] =	vst v63  }
0x74: {  	s19 =	sadd.s32 $0x280, s18  }
0x75: {  	[spmem:s2] =	stream.indirect.scatter.add.f32 [tilespmem:s11], [sflag:$0x1], $0x10, s19, s12, $0xb8;
	[tilespmem:$0x5780] =	vst v63  }
0x76: {  	s19 =	sadd.s32 $0x300, s18  }
0x77: {  	[spmem:s2] =	stream.indirect.scatter.add.f32 [tilespmem:s11], [sflag:$0x1], $0x10, s19, s12, $0xb8;
	[tilespmem:$0x5780] =	vst v63  }
0x78: {  	s19 =	sadd.s32 $0x380, s18  }
0x79: {  	[spmem:s2] =	stream.indirect.scatter.add.f32 [tilespmem:s11], [sflag:$0x1], $0x10, s19, s12, $0xb8;
	[tilespmem:$0x5780] =	vst v63  }
0x7a: {  	s19 =	sadd.s32 $0x400, s18  }
0x7b: {  	[spmem:s2] =	stream.indirect.scatter.add.f32 [tilespmem:s11], [sflag:$0x1], $0x10, s19, s12, $0xb8;
	[tilespmem:$0x5780] =	vst v63  }
0x7c: {  	s19 =	sadd.s32 $0x480, s18  }
0x7d: {  	[spmem:s2] =	stream.indirect.scatter.add.f32 [tilespmem:s11], [sflag:$0x1], $0x10, s19, s12, $0xb8;
	[tilespmem:$0x5780] =	vst v63  }
0x7e: {  	s19 =	sadd.s32 $0x500, s18  }
0x7f: {  	[spmem:s2] =	stream.indirect.scatter.add.f32 [tilespmem:s11], [sflag:$0x1], $0x10, s19, s12, $0xb8;
	[tilespmem:$0x5780] =	vst v63  }
0x80: {  	s19 =	sadd.s32 $0x580, s18  }
0x81: {  	[spmem:s2] =	stream.indirect.scatter.add.f32 [tilespmem:s11], [sflag:$0x1], $0x10, s19, s12, $0xb8;
	[tilespmem:$0x5780] =	vst v63  }
0x82: {  	s19 =	sadd.s32 $0x600, s18  }
0x83: {  	[spmem:s2] =	stream.indirect.scatter.add.f32 [tilespmem:s11], [sflag:$0x1], $0x10, s19, s12, $0xb8;
	[tilespmem:$0x5780] =	vst v63  }
0x84: {  	s19 =	sadd.s32 $0x680, s18  }
0x85: {  	[spmem:s2] =	stream.indirect.scatter.add.f32 [tilespmem:s11], [sflag:$0x1], $0x10, s19, s12, $0xb8;
	[tilespmem:$0x5780] =	vst v63  }
0x86: {  	s19 =	sadd.s32 $0x700, s18  }
0x87: {  	[spmem:s2] =	stream.indirect.scatter.add.f32 [tilespmem:s11], [sflag:$0x1], $0x10, s19, s12, $0xb8;
	[tilespmem:$0x5780] =	vst v63  }
0x88: {  	s18 =	sadd.s32 $0x780, s18  }
0x89: {  	[spmem:s2] =	stream.indirect.scatter.add.f32 [tilespmem:s11], [sflag:$0x1], $0x10, s18, s12, $0xb8;
	[tilespmem:$0x5780] =	vst v63  }
0x8a: {  	_ =	swait.ge [sflag:s13], $0x800  }
0x8b: {  	[sflag:s13] =	ssyncset.done $0x0  }
0x8c: {  	[sflag:s13] =	ssyncadd.s32 $0xFFFFF800  }
0x8d: {  	_ =	swait.ge [sflag:s13], $0x800  }
0x8e: {  	[sflag:s13] =	ssyncset.done $0x0  }
0x8f: {  	[sflag:s13] =	ssyncadd.s32 $0xFFFFF800  }
0x90: {  	_ =	swait.ge [sflag:s13], $0x800  }
0x91: {  	[sflag:s13] =	ssyncset.done $0x0  }
0x92: {  	[sflag:s13] =	ssyncadd.s32 $0xFFFFF800  }
0x93: {  	_ =	swait.ge [sflag:s13], $0x800  }
0x94: {  	[sflag:s13] =	ssyncset.done $0x0  }
0x95: {  	[sflag:s13] =	ssyncadd.s32 $0xFFFFF800  }
0x96: {  	_ =	swait.ge [sflag:s13], $0x800  }
0x97: {  	[sflag:s13] =	ssyncset.done $0x0  }
0x98: {  	[sflag:s13] =	ssyncadd.s32 $0xFFFFF800  }
0x99: {  	_ =	swait.ge [sflag:s13], $0x800  }
0x9a: {  	[sflag:s13] =	ssyncset.done $0x0  }
0x9b: {  	[sflag:s13] =	ssyncadd.s32 $0xFFFFF800  }
0x9c: {  	_ =	swait.ge [sflag:s13], $0x800  }
0x9d: {  	[sflag:s13] =	ssyncset.done $0x0  }
0x9e: {  	[sflag:s13] =	ssyncadd.s32 $0xFFFFF800  }
0x9f: {  	_ =	swait.ge [sflag:s13], $0x800  }
0xa0: {  	[sflag:s13] =	ssyncset.done $0x0  }
0xa1: {  	[sflag:s13] =	ssyncadd.s32 $0xFFFFF800  }
0xa2: {  	_ =	swait.ge [sflag:s13], $0x800  }
0xa3: {  	[sflag:s13] =	ssyncset.done $0x0  }
0xa4: {  	[sflag:s13] =	ssyncadd.s32 $0xFFFFF800  }
0xa5: {  	_ =	swait.ge [sflag:s13], $0x800  }
0xa6: {  	[sflag:s13] =	ssyncset.done $0x0  }
0xa7: {  	[sflag:s13] =	ssyncadd.s32 $0xFFFFF800  }
0xa8: {  	_ =	swait.ge [sflag:s13], $0x800  }
0xa9: {  	[sflag:s13] =	ssyncset.done $0x0  }
0xaa: {  	[sflag:s13] =	ssyncadd.s32 $0xFFFFF800  }
0xab: {  	_ =	swait.ge [sflag:s13], $0x800  }
0xac: {  	[sflag:s13] =	ssyncset.done $0x0  }
0xad: {  	[sflag:s13] =	ssyncadd.s32 $0xFFFFF800  }
0xae: {  	_ =	swait.ge [sflag:s13], $0x800  }
0xaf: {  	[sflag:s13] =	ssyncset.done $0x0  }
0xb0: {  	[sflag:s13] =	ssyncadd.s32 $0xFFFFF800  }
0xb1: {  	_ =	swait.ge [sflag:s13], $0x800  }
0xb2: {  	[sflag:s13] =	ssyncset.done $0x0  }
0xb3: {  	[sflag:s13] =	ssyncadd.s32 $0xFFFFF800  }
.Ltmp0:
0xb4: {  	_ =	swait.ge [sflag:s13], $0x800;
	(pc) =	sbr.rel @p0 .LBB2_2-.Ltmp0, $4  }
0xb5: {  	[sflag:s13] =	ssyncset.done $0x0  }
0xb6: {  	[sflag:s13] =	ssyncadd.s32 $0xFFFFF800  }
0xb7: {  	_ =	swait.ge [sflag:s13], $0x800  }
0xb8: {  	s19 =	smov.u32 s17;
	[sflag:s13] =	ssyncset.done $0x0  }
0xb9: {  	s16 =	sshra.s32 s16, $0x2;
	[sflag:s13] =	ssyncadd.s32 $0xFFFFF800  }
0xba: {  	[spmem:s2] =	stream.indirect.scatter.add.f32 [tilespmem:s11], [sflag:$0x1], $0x10, s16, s12, $0xb8;
	[tilespmem:$0x5780] =	vst v63  }
0xbb: {  	s17 =	sadd.s32 $0x80, s16  }
0xbc: {  	[spmem:s2] =	stream.indirect.scatter.add.f32 [tilespmem:s11], [sflag:$0x1], $0x10, s17, s12, $0xb8;
	[tilespmem:$0x5780] =	vst v63  }
0xbd: {  	s18 =	sadd.s32 $0x100, s16  }
0xbe: {  	[spmem:s2] =	stream.indirect.scatter.add.f32 [tilespmem:s11], [sflag:$0x1], $0x10, s18, s12, $0xb8;
	[tilespmem:$0x5780] =	vst v63  }
0xbf: {  	s19 =	sadd.s32 $0x180, s16  }
0xc0: {  	[spmem:s2] =	stream.indirect.scatter.add.f32 [tilespmem:s11], [sflag:$0x1], $0x10, s19, s12, $0xb8;
	[tilespmem:$0x5780] =	vst v63  }
0xc1: {  	s20 =	sadd.s32 $0x200, s16  }
0xc2: {  	[spmem:s2] =	stream.indirect.scatter.add.f32 [tilespmem:s11], [sflag:$0x1], $0x10, s20, s12, $0xb8;
	[tilespmem:$0x5780] =	vst v63  }
0xc3: {  	s21 =	sadd.s32 $0x280, s16  }
0xc4: {  	[spmem:s2] =	stream.indirect.scatter.add.f32 [tilespmem:s11], [sflag:$0x1], $0x10, s21, s12, $0xb8;
	[tilespmem:$0x5780] =	vst v63  }
0xc5: {  	s22 =	sadd.s32 $0x300, s16  }
0xc6: {  	[spmem:s2] =	stream.indirect.scatter.add.f32 [tilespmem:s11], [sflag:$0x1], $0x10, s22, s12, $0xb8;
	[tilespmem:$0x5780] =	vst v63  }
0xc7: {  	s23 =	sadd.s32 $0x380, s16  }
0xc8: {  	[spmem:s2] =	stream.indirect.scatter.add.f32 [tilespmem:s11], [sflag:$0x1], $0x10, s23, s12, $0xb8;
	[tilespmem:$0x5780] =	vst v63  }
0xc9: {  	s24 =	sadd.s32 $0x400, s16  }
0xca: {  	[spmem:s2] =	stream.indirect.scatter.add.f32 [tilespmem:s11], [sflag:$0x1], $0x10, s24, s12, $0xb8;
	[tilespmem:$0x5780] =	vst v63  }
0xcb: {  	s25 =	sadd.s32 $0x480, s16  }
0xcc: {  	[spmem:s2] =	stream.indirect.scatter.add.f32 [tilespmem:s11], [sflag:$0x1], $0x10, s25, s12, $0xb8;
	[tilespmem:$0x5780] =	vst v63  }
0xcd: {  	s26 =	sadd.s32 $0x500, s16  }
0xce: {  	[spmem:s2] =	stream.indirect.scatter.add.f32 [tilespmem:s11], [sflag:$0x1], $0x10, s26, s12, $0xb8;
	[tilespmem:$0x5780] =	vst v63  }
0xcf: {  	s28 =	sadd.s32 $0x580, s16  }
0xd0: {  	[spmem:s2] =	stream.indirect.scatter.add.f32 [tilespmem:s11], [sflag:$0x1], $0x10, s28, s12, $0xb8;
	[tilespmem:$0x5780] =	vst v63  }
0xd1: {  	s29 =	sadd.s32 $0x600, s16  }
0xd2: {  	[spmem:s2] =	stream.indirect.scatter.add.f32 [tilespmem:s11], [sflag:$0x1], $0x10, s29, s12, $0xb8;
	[tilespmem:$0x5780] =	vst v63  }
0xd3: {  	s30 =	sadd.s32 $0x680, s16  }
0xd4: {  	[spmem:s2] =	stream.indirect.scatter.add.f32 [tilespmem:s11], [sflag:$0x1], $0x10, s30, s12, $0xb8;
	[tilespmem:$0x5780] =	vst v63  }
0xd5: {  	s31 =	sadd.s32 $0x700, s16  }
0xd6: {  	[spmem:s2] =	stream.indirect.scatter.add.f32 [tilespmem:s11], [sflag:$0x1], $0x10, s31, s12, $0xb8;
	[tilespmem:$0x5780] =	vst v63  }
0xd7: {  	s16 =	sadd.s32 $0x780, s16  }
0xd8: {  	[spmem:s2] =	stream.indirect.scatter.add.f32 [tilespmem:s11], [sflag:$0x1], $0x10, s16, s12, $0xb8;
	[tilespmem:$0x5780] =	vst v63  }
0xd9: {  	_ =	swait.ge [sflag:s13], $0x800  }
0xda: {  	[sflag:s13] =	ssyncset.done $0x0  }
0xdb: {  	[sflag:s13] =	ssyncadd.s32 $0xFFFFF800  }
0xdc: {  	_ =	swait.ge [sflag:s13], $0x800  }
0xdd: {  	[sflag:s13] =	ssyncset.done $0x0  }
0xde: {  	[sflag:s13] =	ssyncadd.s32 $0xFFFFF800  }
0xdf: {  	_ =	swait.ge [sflag:s13], $0x800  }
0xe0: {  	[sflag:s13] =	ssyncset.done $0x0  }
0xe1: {  	[sflag:s13] =	ssyncadd.s32 $0xFFFFF800  }
0xe2: {  	_ =	swait.ge [sflag:s13], $0x800  }
0xe3: {  	[sflag:s13] =	ssyncset.done $0x0  }
0xe4: {  	[sflag:s13] =	ssyncadd.s32 $0xFFFFF800  }
0xe5: {  	_ =	swait.ge [sflag:s13], $0x800  }
0xe6: {  	[sflag:s13] =	ssyncset.done $0x0  }
0xe7: {  	[sflag:s13] =	ssyncadd.s32 $0xFFFFF800  }
0xe8: {  	_ =	swait.ge [sflag:s13], $0x800  }
0xe9: {  	[sflag:s13] =	ssyncset.done $0x0  }
0xea: {  	[sflag:s13] =	ssyncadd.s32 $0xFFFFF800  }
0xeb: {  	_ =	swait.ge [sflag:s13], $0x800  }
0xec: {  	[sflag:s13] =	ssyncset.done $0x0  }
0xed: {  	[sflag:s13] =	ssyncadd.s32 $0xFFFFF800  }
0xee: {  	_ =	swait.ge [sflag:s13], $0x800  }
0xef: {  	[sflag:s13] =	ssyncset.done $0x0  }
0xf0: {  	[sflag:s13] =	ssyncadd.s32 $0xFFFFF800  }
0xf1: {  	_ =	swait.ge [sflag:s13], $0x800  }
0xf2: {  	[sflag:s13] =	ssyncset.done $0x0  }
0xf3: {  	[sflag:s13] =	ssyncadd.s32 $0xFFFFF800  }
0xf4: {  	_ =	swait.ge [sflag:s13], $0x800  }
0xf5: {  	[sflag:s13] =	ssyncset.done $0x0  }
0xf6: {  	[sflag:s13] =	ssyncadd.s32 $0xFFFFF800  }
0xf7: {  	_ =	swait.ge [sflag:s13], $0x800  }
0xf8: {  	[sflag:s13] =	ssyncset.done $0x0  }
0xf9: {  	[sflag:s13] =	ssyncadd.s32 $0xFFFFF800  }
0xfa: {  	_ =	swait.ge [sflag:s13], $0x800  }
0xfb: {  	[sflag:s13] =	ssyncset.done $0x0  }
0xfc: {  	[sflag:s13] =	ssyncadd.s32 $0xFFFFF800  }
0xfd: {  	_ =	swait.ge [sflag:s13], $0x800  }
0xfe: {  	[sflag:s13] =	ssyncset.done $0x0  }
0xff: {  	[sflag:s13] =	ssyncadd.s32 $0xFFFFF800  }
0x100: {  	_ =	swait.ge [sflag:s13], $0x800  }
0x101: {  	[sflag:s13] =	ssyncset.done $0x0  }
0x102: {  	[sflag:s13] =	ssyncadd.s32 $0xFFFFF800  }
0x103: {  	_ =	swait.ge [sflag:s13], $0x800  }
0x104: {  	[sflag:s13] =	ssyncset.done $0x0  }
0x105: {  	[sflag:s13] =	ssyncadd.s32 $0xFFFFF800  }
0x106: {  	_ =	swait.ge [sflag:s13], $0x800  }
0x107: {  	s15 =	sadd.s32 $0x1, s15;
	[sflag:s13] =	ssyncset.done $0x0  }
0x108: {  	p0 =	sne.s32 s15, s8;
	[sflag:s13] =	ssyncadd.s32 $0xFFFFF800  }
.Ltmp1:
0x109: {  	[bflag:$0x0] =	sbarrier.arrive $0xFFFF;
	(pc) =	sbr.rel @p0 .LBB2_1-.Ltmp1, $4  }
0x10a: {  	[hbm:s14], [sflag:s6] =	dma.local [spmem:s9], $0x4F0  }
0x10b: {  	_ =	swait.ge [sflag:s10], $0x4F0  }
0x10c: {  	[sflag:s10] =	ssyncset.done $0x0  }
0x10d: {  	[sflag:s10] =	ssyncadd.s32 $0xFFFFFB10  }
0x10e: {  	_ =	sfence.sel $0x180000  }
0x10f: {  	[bflag:$0x0] =	sbarrier.arrive $0xFFFF  }
0x110: {  	p0 =	sne.s32 s0, $0x0;
	_ =	strace $0x90000047  }
0x111: {  	s0 =	sadd.s32 @!p0 $0x100000, s1;
	[bflag:$0x2] =	sbarrier.arrive $0xFFFF  }
0x112: {  	[sflag:s0] =	ssyncadd.tile.s32 @!p0 $0x1;
	_ =	shalt  }
.Lfunc_end2:
_tile_overlayer_lowered:
.L_overlay_start_2:
0x113: {  	(tag) =	ssettag $0x2  }
0x114: {  	s0 =	rddreg [dreg:$0x0];
	s2 =	stileid.u32  }
0x115: {  	s1 =	rddreg [dreg:$0x1];
	p0 =	sne.s32 s2, $0x0  }
0x116: {  	s3 =	rddreg [dreg:$0x2];
	[bflag:$0x3] =	sbarrier.arrive $0xFFFF;
	s2 =	simm.s32 @!p0 $0x1C02  }
0x117: {  	[timem:s3], [sflag:s2] =	dma.local @!p0 [hbm:s0], s1  }
0x118: {  	s0 =	simm.s32 @!p0 $0x2  }
0x119: {  	_ =	swait.ge @!p0 [sflag:s0], s1  }
0x11a: {  	s1 =	ssub.s32 @!p0 $0x0, s1;
	[sflag:s0] =	ssyncset.done @!p0 $0x0  }
0x11b: {  	[sflag:s0] =	ssyncadd.s32 @!p0 s1  }
0x11c: {  	[bflag:$0x3] =	sbarrier.arrive $0xFFFF  }
0x11d: {  	_ =	shalt  }

</sc_bundles>
